<compile_context>
chip_gen: v7x
topology: tpu7x:2x2x1
jax: 0.10.2.dev20260603
libtpu: 0.0.44.dev20260713+nightly
codegen_flags: <defaults>
</compile_context>

<pallas_src>
import functools

import jax
import jax.numpy as jnp
from jax import lax
from jax.experimental import pallas as pl
from jax.experimental.pallas import tpu as pltpu
from jax.experimental.pallas import tpu_sc as plsc

NC = 2
NS = 16
NW = NC * NS
LANES = 16

CW = 80
GK = 125


def _wid():
    return lax.axis_index("s") * NC + lax.axis_index("c")


def _scatter_body(n, rpw, src_hbm, dst_hbm, s_hbm, srcb, dstb, keyb, eidb, sem):
    wid = _wid()
    row0 = wid * rpw
    pltpu.sync_copy(src_hbm.at[wid], srcb)
    pltpu.sync_copy(dst_hbm.at[wid], dstb)

    def compute_row(r, carry):
        for i in range(CW // LANES):
            sl = pl.ds(i * LANES, LANES)
            keyb[r, sl] = srcb[r, sl] * n + dstb[r, sl]
            eidb[r, sl] = (row0 + r) * CW + i * LANES + lax.iota(jnp.int32, 16)
        return carry

    lax.fori_loop(0, rpw, compute_row, 0)

    def group(g, carry):
        def fire(r, c):
            rr = g * GK + r
            pltpu.async_copy(eidb.at[rr], s_hbm.at[keyb.at[rr]], sem)
            return c

        lax.fori_loop(0, GK, fire, 0)

        def drain(r, c):
            rr = g * GK + r
            pltpu.make_async_copy(eidb.at[rr], s_hbm.at[keyb.at[rr]], sem).wait()
            return c

        lax.fori_loop(0, GK, drain, 0)
        return carry

    lax.fori_loop(0, rpw // GK, group, 0)


def _degree_body(n, rpw, src_hbm, dst_hbm, s_hbm, inp_hbm, outp_hbm,
                 srcb, dstb, keyb, eidb, gotb, valb, zb,
                 din_sh, dout_sh, sem):
    cid = lax.axis_index("c")
    sid = lax.axis_index("s")
    wid = _wid()
    row0 = wid * rpw

    @pl.when(sid == 0)
    def _zero():
        def zrow(i, c):
            zb[pl.ds(i * LANES, LANES)] = jnp.zeros((LANES,), jnp.int32)
            return c
        lax.fori_loop(0, n // LANES, zrow, 0)
        pltpu.sync_copy(zb, din_sh)
        pltpu.sync_copy(zb, dout_sh)

    pltpu.sync_copy(src_hbm.at[wid], srcb)
    pltpu.sync_copy(dst_hbm.at[wid], dstb)

    def compute_row(r, carry):
        for i in range(CW // LANES):
            sl = pl.ds(i * LANES, LANES)
            keyb[r, sl] = srcb[r, sl] * n + dstb[r, sl]
            eidb[r, sl] = (row0 + r) * CW + i * LANES + lax.iota(jnp.int32, 16)
        return carry

    lax.fori_loop(0, rpw, compute_row, 0)

    def ggroup(g, carry):
        def fire(r, c):
            rr = g * GK + r
            pltpu.async_copy(s_hbm.at[keyb.at[rr]], gotb.at[rr], sem)
            return c

        lax.fori_loop(0, GK, fire, 0)

        def drain(r, c):
            rr = g * GK + r
            pltpu.make_async_copy(s_hbm.at[keyb.at[rr]], gotb.at[rr], sem).wait()
            return c

        lax.fori_loop(0, GK, drain, 0)
        return carry

    lax.fori_loop(0, rpw // GK, ggroup, 0)

    def val_row(r, carry):
        for i in range(CW // LANES):
            sl = pl.ds(i * LANES, LANES)
            valb[r, sl] = 1 - jnp.minimum(jnp.abs(gotb[r, sl] - eidb[r, sl]), 1)
        return carry

    lax.fori_loop(0, rpw, val_row, 0)

    plsc.subcore_barrier()

    def sgroup(g, carry):
        def fire(r, c):
            rr = g * GK + r
            pltpu.async_copy(valb.at[rr], din_sh.at[srcb.at[rr]], sem, add=True)
            pltpu.async_copy(valb.at[rr], dout_sh.at[dstb.at[rr]], sem, add=True)
            return c

        lax.fori_loop(0, GK, fire, 0)

        def drain(r, c):
            rr = g * GK + r
            pltpu.make_async_copy(valb.at[rr], din_sh.at[srcb.at[rr]], sem).wait()
            pltpu.make_async_copy(valb.at[rr], dout_sh.at[dstb.at[rr]], sem).wait()
            return c

        lax.fori_loop(0, GK, drain, 0)
        return carry

    lax.fori_loop(0, rpw // GK, sgroup, 0)

    plsc.subcore_barrier()

    @pl.when(sid == 0)
    def _writeout():
        pltpu.sync_copy(din_sh, inp_hbm.at[cid, 0])
        pltpu.sync_copy(dout_sh, outp_hbm.at[cid, 0])


def _emb_body(num_emb, blk, ia0, ia1, oa0, oa1, x_ref, itab, otab, out_ref):
    din = jnp.minimum(ia0[0, 0, :] + ia1[0, 0, :], num_emb - 1)
    dout = jnp.minimum(oa0[0, 0, :] + oa1[0, 0, :], num_emb - 1)
    ioh = (lax.broadcasted_iota(jnp.int32, (blk, num_emb), 1)
           == din[:, None]).astype(jnp.float32)
    ooh = (lax.broadcasted_iota(jnp.int32, (blk, num_emb), 1)
           == dout[:, None]).astype(jnp.float32)
    g = jnp.dot(ioh, itab[...], preferred_element_type=jnp.float32)
    g = g + jnp.dot(ooh, otab[...], preferred_element_type=jnp.float32)
    out_ref[...] = x_ref[...] + g


def kernel(x, edge_feature, edge_index, in_table, out_table):
    n, d_node = x.shape
    e = edge_index.shape[1]
    num_emb = in_table.shape[0]

    rows = e // CW
    rpw = rows // NW

    src3d = edge_index[0].reshape(NW, rpw, CW)
    dst3d = edge_index[1].reshape(NW, rpw, CW)

    mesh = plsc.VectorSubcoreMesh(core_axis_name="c", subcore_axis_name="s")

    scatter_k = functools.partial(
        pl.kernel,
        out_type=jax.ShapeDtypeStruct((n * n,), jnp.int32),
        mesh=mesh,
        scratch_types=[
            pltpu.VMEM((rpw, CW), jnp.int32),
            pltpu.VMEM((rpw, CW), jnp.int32),
            pltpu.VMEM((rpw, CW), jnp.int32),
            pltpu.VMEM((rpw, CW), jnp.int32),
            pltpu.SemaphoreType.DMA,
        ],
        name="p1_scatter",
    )(functools.partial(_scatter_body, n, rpw))

    slot = scatter_k(src3d, dst3d)

    degree_k = functools.partial(
        pl.kernel,
        out_type=(
            jax.ShapeDtypeStruct((NC, 1, n), jnp.int32),
            jax.ShapeDtypeStruct((NC, 1, n), jnp.int32),
        ),
        mesh=mesh,
        scratch_types=[
            pltpu.VMEM((rpw, CW), jnp.int32),
            pltpu.VMEM((rpw, CW), jnp.int32),
            pltpu.VMEM((rpw, CW), jnp.int32),
            pltpu.VMEM((rpw, CW), jnp.int32),
            pltpu.VMEM((rpw, CW), jnp.int32),
            pltpu.VMEM((rpw, CW), jnp.int32),
            pltpu.VMEM((n,), jnp.int32),
            pltpu.VMEM_SHARED((n,), jnp.int32),
            pltpu.VMEM_SHARED((n,), jnp.int32),
            pltpu.SemaphoreType.DMA,
        ],
        name="p2_degree",
    )(functools.partial(_degree_body, n, rpw))

    in_part, out_part = degree_k(src3d, dst3d, slot)

    blk = 1000
    nblk = n // blk
    ia0 = in_part[0, 0].reshape(nblk, 1, blk)
    ia1 = in_part[1, 0].reshape(nblk, 1, blk)
    oa0 = out_part[0, 0].reshape(nblk, 1, blk)
    oa1 = out_part[1, 0].reshape(nblk, 1, blk)

    part_spec = pl.BlockSpec((1, 1, blk), lambda j: (j, 0, 0))
    tab_spec = pl.BlockSpec((num_emb, d_node), lambda j: (0, 0))
    row_spec = pl.BlockSpec((blk, d_node), lambda j: (j, 0))

    node_feature = pl.pallas_call(
        functools.partial(_emb_body, num_emb, blk),
        grid=(nblk,),
        in_specs=[part_spec, part_spec, part_spec, part_spec,
                  row_spec, tab_spec, tab_spec],
        out_specs=row_spec,
        out_shape=jax.ShapeDtypeStruct((n, d_node), jnp.float32),
    )(ia0, ia1, oa0, oa1, x, in_table, out_table)

    return (node_feature, 0)

# --- scband reference (transcript-rebuilt; emitter-appended) ---
"""Pipeline reference for scband-get-atten-bias-63299228009184 (READ-ONLY COPY).

The authoritative reference and input builder live on the scoring server;
editing this copy changes nothing except your own understanding.
"""

import jax, jax.numpy as jnp
import numpy as np

N = 10000
E = 320000
D_NODE = 128
D_EDGE = 16
NUM_EMB = 512


def setup_inputs(seed: int = 0) -> dict:
    key = jax.random.key(seed)
    k1, k2, k3, k4, k5 = jax.random.split(key, 5)
    x = jax.random.normal(k1, (N, D_NODE), dtype=jnp.float32)
    edge_feature = jax.random.normal(k2, (E, D_EDGE), dtype=jnp.float32)
    edge_index = jax.random.randint(k3, (2, E), 0, N, dtype=jnp.int32)
    # nn.Embedding(512, dim_atten, padding_idx=0): row 0 is zeroed
    in_table = (jax.random.normal(k4, (NUM_EMB, D_NODE), dtype=jnp.float32) * 0.02).at[0].set(0.0)
    out_table = (jax.random.normal(k5, (NUM_EMB, D_NODE), dtype=jnp.float32) * 0.02).at[0].set(0.0)
    return {"x": x, "edge_feature": edge_feature, "edge_index": edge_index,
            "in_table": in_table, "out_table": out_table}


def reference(x, edge_feature, edge_index, in_table, out_table):
    n = x.shape[0]
    # dense boolean adjacency (scatter-overwrite), deduplicating multi-edges
    adj = jnp.zeros((n, n), dtype=bool).at[edge_index[0, :], edge_index[1, :]].set(True)
    in_degree = jnp.sum(adj, axis=1).reshape(-1).astype(jnp.int32)
    out_degree = jnp.sum(adj, axis=0).reshape(-1).astype(jnp.int32)
    # embedding gathers
    node_feature = x + jnp.take(in_table, in_degree, axis=0) + jnp.take(out_table, out_degree, axis=0)
    attn_bias = 0
    return (node_feature, attn_bias)

if __name__ == "__main__":
    import jax
    _d = setup_inputs()
    print(jax.jit(kernel)(*tuple(_d.values())))

</pallas_src>

<mosaic_0001>
#map = affine_map<(d0, d1) -> (0, 0, 0)>
#map1 = affine_map<(d0, d1) -> (0)>
module attributes {stable_mosaic.version = 14 : i64} {
  func.func @p2_degree(%arg0: i32, %arg1: i32, %arg2: memref<32x125x80xi32, #tpu.memory_space<hbm>>, %arg3: memref<32x125x80xi32, #tpu.memory_space<hbm>>, %arg4: memref<100000000xi32, #tpu.memory_space<hbm>>, %arg5: memref<2x1x10000xi32, #tpu.memory_space<hbm>>, %arg6: memref<2x1x10000xi32, #tpu.memory_space<hbm>>, %arg7: memref<125x80xi32, #tpu.memory_space<vmem>>, %arg8: memref<125x80xi32, #tpu.memory_space<vmem>>, %arg9: memref<125x80xi32, #tpu.memory_space<vmem>>, %arg10: memref<125x80xi32, #tpu.memory_space<vmem>>, %arg11: memref<125x80xi32, #tpu.memory_space<vmem>>, %arg12: memref<125x80xi32, #tpu.memory_space<vmem>>, %arg13: memref<10000xi32, #tpu.memory_space<vmem>>, %arg14: memref<10000xi32, #tpu.memory_space<vmem_shared>>, %arg15: memref<10000xi32, #tpu.memory_space<vmem_shared>>, %arg16: memref<!tpu.dma_semaphore, #tpu.memory_space<semaphore_mem>>) attributes {dimension_semantics = [#tpu.dimension_semantics<core_parallel>, #tpu.dimension_semantics<subcore_parallel>], iteration_bounds = array<i64: 2, 16>, scalar_prefetch = 0 : i64, scratch_operands = 10 : i64, tpu.core_type = #tpu.core_type<sc_vector_subcore>, window_params = [{transform_indices = #map}, {transform_indices = #map}, {transform_indices = #map1}, {transform_indices = #map}, {transform_indices = #map}]} {
    %mul3A = arith.constant 2 : i32
    %mul3A_0 = arith.muli %arg1, %mul3A : i32
    %add3A = arith.addi %mul3A_0, %arg0 : i32
    %mul3A_1 = arith.constant 125 : i32
    %mul3A_2 = arith.muli %add3A, %mul3A_1 : i32
    %eq3A = arith.constant 0 : i32
    %eq3A_3 = arith.cmpi eq, %arg1, %eq3A : i32
    %convert_element_type3A = arith.extui %eq3A_3 : i1 to i32
    %cond3A = arith.constant 0 : i32
    %cond3A_4 = arith.cmpi ne, %convert_element_type3A, %cond3A : i32
    scf.if %cond3A_4 {
      %scan3A_52 = arith.constant 0 : i32
      %scan3A_53 = arith.constant 0 : i32
      %scan3A_54 = arith.constant 625 : i32
      %scan3A_55 = arith.addi %scan3A_53, %scan3A_54 : i32
      %scan3A_56 = arith.constant 1 : i32
      scf.for %scan3A_58 = %scan3A_53 to %scan3A_55 step %scan3A_56  : i32 {
        %broadcast_in_dim3A = arith.constant 0 : i32
        %broadcast_in_dim3A_59 = vector.broadcast %broadcast_in_dim3A : i32 to vector<16xi32>
        %mul3A_60 = arith.constant 16 : i32
        %mul3A_61 = arith.muli %scan3A_58, %mul3A_60 : i32
        %swap3A = arith.index_cast %mul3A_61 : i32 to index
        %swap3A_62 = tpu.vector_load %arg13[%swap3A] {strides = array<i32>} : memref<10000xi32, #tpu.memory_space<vmem>>, vector<16xi32>,
        %swap3A_63 = vector.shape_cast %swap3A_62 : vector<16xi32> to vector<16xi32>
        %swap3A_64 = vector.shape_cast %broadcast_in_dim3A_59 : vector<16xi32> to vector<16xi32>
        tpu.vector_store %arg13[%swap3A], %swap3A_64 {strides = array<i32>} : memref<10000xi32, #tpu.memory_space<vmem>>, vector<16xi32>,
      }
      %scan3A_57 = arith.constant 625 : i32
      "tpu.region"() ({
        %run_scoped3A = tpu.sem_alloc : memref<!tpu.dma_semaphore, #tpu.memory_space<semaphore_mem>>
        tpu.enqueue_dma source(%arg13 : memref<10000xi32, #tpu.memory_space<vmem>>) target(%arg14 : memref<10000xi32, #tpu.memory_space<vmem_shared>>) target_semaphore(%run_scoped3A : memref<!tpu.dma_semaphore, #tpu.memory_space<semaphore_mem>>)
        tpu.wait_dma2 semaphore(%run_scoped3A : memref<!tpu.dma_semaphore, #tpu.memory_space<semaphore_mem>>) src(%arg13 : memref<10000xi32, #tpu.memory_space<vmem>>) dst(%arg14 : memref<10000xi32, #tpu.memory_space<vmem_shared>>)
        tpu.yield
      }) : () -> ()
      "tpu.region"() ({
        %run_scoped3A = tpu.sem_alloc : memref<!tpu.dma_semaphore, #tpu.memory_space<semaphore_mem>>
        tpu.enqueue_dma source(%arg13 : memref<10000xi32, #tpu.memory_space<vmem>>) target(%arg15 : memref<10000xi32, #tpu.memory_space<vmem_shared>>) target_semaphore(%run_scoped3A : memref<!tpu.dma_semaphore, #tpu.memory_space<semaphore_mem>>)
        tpu.wait_dma2 semaphore(%run_scoped3A : memref<!tpu.dma_semaphore, #tpu.memory_space<semaphore_mem>>) src(%arg13 : memref<10000xi32, #tpu.memory_space<vmem>>) dst(%arg15 : memref<10000xi32, #tpu.memory_space<vmem_shared>>)
        tpu.yield
      }) : () -> ()
    } else {
    }
    "tpu.region"() ({
      %run_scoped3A = tpu.sem_alloc : memref<!tpu.dma_semaphore, #tpu.memory_space<semaphore_mem>>
      %dma_start3A = arith.constant 0 : i32
      %dma_start3A_52 = arith.constant 0 : i32
      %dma_start3A_53 = tpu.memref_slice %arg2[%add3A, %dma_start3A, %dma_start3A_52] : memref<32x125x80xi32, #tpu.memory_space<hbm>> -> memref<1x125x80xi32, #tpu.memory_space<hbm>>
      %dma_start3A_54 = tpu.memref_squeeze %dma_start3A_53 : memref<1x125x80xi32, #tpu.memory_space<hbm>> -> memref<125x80xi32, #tpu.memory_space<hbm>>
      %dma_start3A_55 = arith.constant 0 : i32
      %dma_start3A_56 = arith.constant 0 : i32
      %dma_start3A_57 = tpu.memref_slice %arg2[%add3A, %dma_start3A_55, %dma_start3A_56] : memref<32x125x80xi32, #tpu.memory_space<hbm>> -> memref<1x125x80xi32, #tpu.memory_space<hbm>>
      %dma_start3A_58 = tpu.memref_squeeze %dma_start3A_57 : memref<1x125x80xi32, #tpu.memory_space<hbm>> -> memref<125x80xi32, #tpu.memory_space<hbm>>
      tpu.enqueue_dma source(%dma_start3A_58 : memref<125x80xi32, #tpu.memory_space<hbm>>) target(%arg7 : memref<125x80xi32, #tpu.memory_space<vmem>>) target_semaphore(%run_scoped3A : memref<!tpu.dma_semaphore, #tpu.memory_space<semaphore_mem>>)
      %dma_wait3A = arith.constant 0 : i32
      %dma_wait3A_59 = arith.constant 0 : i32
      %dma_wait3A_60 = tpu.memref_slice %arg2[%add3A, %dma_wait3A, %dma_wait3A_59] : memref<32x125x80xi32, #tpu.memory_space<hbm>> -> memref<1x125x80xi32, #tpu.memory_space<hbm>>
      %dma_wait3A_61 = tpu.memref_squeeze %dma_wait3A_60 : memref<1x125x80xi32, #tpu.memory_space<hbm>> -> memref<125x80xi32, #tpu.memory_space<hbm>>
      %dma_wait3A_62 = arith.constant 0 : i32
      %dma_wait3A_63 = arith.constant 0 : i32
      %dma_wait3A_64 = tpu.memref_slice %arg2[%add3A, %dma_wait3A_62, %dma_wait3A_63] : memref<32x125x80xi32, #tpu.memory_space<hbm>> -> memref<1x125x80xi32, #tpu.memory_space<hbm>>
      %dma_wait3A_65 = tpu.memref_squeeze %dma_wait3A_64 : memref<1x125x80xi32, #tpu.memory_space<hbm>> -> memref<125x80xi32, #tpu.memory_space<hbm>>
      tpu.wait_dma2 semaphore(%run_scoped3A : memref<!tpu.dma_semaphore, #tpu.memory_space<semaphore_mem>>) src(%dma_wait3A_65 : memref<125x80xi32, #tpu.memory_space<hbm>>) dst(%arg7 : memref<125x80xi32, #tpu.memory_space<vmem>>)
      tpu.yield
    }) : () -> ()
    "tpu.region"() ({
      %run_scoped3A = tpu.sem_alloc : memref<!tpu.dma_semaphore, #tpu.memory_space<semaphore_mem>>
      %dma_start3A = arith.constant 0 : i32
      %dma_start3A_52 = arith.constant 0 : i32
      %dma_start3A_53 = tpu.memref_slice %arg3[%add3A, %dma_start3A, %dma_start3A_52] : memref<32x125x80xi32, #tpu.memory_space<hbm>> -> memref<1x125x80xi32, #tpu.memory_space<hbm>>
      %dma_start3A_54 = tpu.memref_squeeze %dma_start3A_53 : memref<1x125x80xi32, #tpu.memory_space<hbm>> -> memref<125x80xi32, #tpu.memory_space<hbm>>
      %dma_start3A_55 = arith.constant 0 : i32
      %dma_start3A_56 = arith.constant 0 : i32
      %dma_start3A_57 = tpu.memref_slice %arg3[%add3A, %dma_start3A_55, %dma_start3A_56] : memref<32x125x80xi32, #tpu.memory_space<hbm>> -> memref<1x125x80xi32, #tpu.memory_space<hbm>>
      %dma_start3A_58 = tpu.memref_squeeze %dma_start3A_57 : memref<1x125x80xi32, #tpu.memory_space<hbm>> -> memref<125x80xi32, #tpu.memory_space<hbm>>
      tpu.enqueue_dma source(%dma_start3A_58 : memref<125x80xi32, #tpu.memory_space<hbm>>) target(%arg8 : memref<125x80xi32, #tpu.memory_space<vmem>>) target_semaphore(%run_scoped3A : memref<!tpu.dma_semaphore, #tpu.memory_space<semaphore_mem>>)
      %dma_wait3A = arith.constant 0 : i32
      %dma_wait3A_59 = arith.constant 0 : i32
      %dma_wait3A_60 = tpu.memref_slice %arg3[%add3A, %dma_wait3A, %dma_wait3A_59] : memref<32x125x80xi32, #tpu.memory_space<hbm>> -> memref<1x125x80xi32, #tpu.memory_space<hbm>>
      %dma_wait3A_61 = tpu.memref_squeeze %dma_wait3A_60 : memref<1x125x80xi32, #tpu.memory_space<hbm>> -> memref<125x80xi32, #tpu.memory_space<hbm>>
      %dma_wait3A_62 = arith.constant 0 : i32
      %dma_wait3A_63 = arith.constant 0 : i32
      %dma_wait3A_64 = tpu.memref_slice %arg3[%add3A, %dma_wait3A_62, %dma_wait3A_63] : memref<32x125x80xi32, #tpu.memory_space<hbm>> -> memref<1x125x80xi32, #tpu.memory_space<hbm>>
      %dma_wait3A_65 = tpu.memref_squeeze %dma_wait3A_64 : memref<1x125x80xi32, #tpu.memory_space<hbm>> -> memref<125x80xi32, #tpu.memory_space<hbm>>
      tpu.wait_dma2 semaphore(%run_scoped3A : memref<!tpu.dma_semaphore, #tpu.memory_space<semaphore_mem>>) src(%dma_wait3A_65 : memref<125x80xi32, #tpu.memory_space<hbm>>) dst(%arg8 : memref<125x80xi32, #tpu.memory_space<vmem>>)
      tpu.yield
    }) : () -> ()
    %scan3A = arith.constant 0 : i32
    %scan3A_5 = arith.constant 0 : i32
    %scan3A_6 = arith.constant 125 : i32
    %scan3A_7 = arith.addi %scan3A_5, %scan3A_6 : i32
    %scan3A_8 = arith.constant 1 : i32
    scf.for %scan3A_52 = %scan3A_5 to %scan3A_7 step %scan3A_8  : i32 {
      %get3A = arith.index_cast %scan3A_52 : i32 to index
      %get3A_53 = arith.constant 0 : index
      %get3A_54 = tpu.vector_load %arg7[%get3A, %get3A_53] {strides = array<i32>} : memref<125x80xi32, #tpu.memory_space<vmem>>, vector<1x16xi32>,
      %get3A_55 = vector.shape_cast %get3A_54 : vector<1x16xi32> to vector<16xi32>
      %mul3A_56 = arith.constant 10000 : i32
      %mul3A_57 = vector.broadcast %mul3A_56 : i32 to vector<16xi32>
      %mul3A_58 = arith.muli %get3A_55, %mul3A_57 : vector<16xi32>
      %get3A_59 = arith.index_cast %scan3A_52 : i32 to index
      %get3A_60 = arith.constant 0 : index
      %get3A_61 = tpu.vector_load %arg8[%get3A_59, %get3A_60] {strides = array<i32>} : memref<125x80xi32, #tpu.memory_space<vmem>>, vector<1x16xi32>,
      %get3A_62 = vector.shape_cast %get3A_61 : vector<1x16xi32> to vector<16xi32>
      %add3A_63 = arith.addi %mul3A_58, %get3A_62 : vector<16xi32>
      %swap3A = arith.index_cast %scan3A_52 : i32 to index
      %swap3A_64 = arith.constant 0 : index
      %swap3A_65 = tpu.vector_load %arg9[%swap3A, %swap3A_64] {strides = array<i32>} : memref<125x80xi32, #tpu.memory_space<vmem>>, vector<1x16xi32>,
      %swap3A_66 = vector.shape_cast %swap3A_65 : vector<1x16xi32> to vector<16xi32>
      %swap3A_67 = vector.shape_cast %add3A_63 : vector<16xi32> to vector<1x16xi32>
      tpu.vector_store %arg9[%swap3A, %swap3A_64], %swap3A_67 {strides = array<i32>} : memref<125x80xi32, #tpu.memory_space<vmem>>, vector<1x16xi32>,
      %add3A_68 = arith.addi %mul3A_2, %scan3A_52 : i32
      %mul3A_69 = arith.constant 80 : i32
      %mul3A_70 = arith.muli %add3A_68, %mul3A_69 : i32
      %add3A_71 = arith.constant 0 : i32
      %add3A_72 = arith.addi %mul3A_70, %add3A_71 : i32
      %iota3A = tpu.iota {dimensions = array<i32: 0>} : vector<16xi32>
      %add3A_73 = vector.broadcast %add3A_72 : i32 to vector<16xi32>
      %add3A_74 = arith.addi %add3A_73, %iota3A : vector<16xi32>
      %swap3A_75 = arith.index_cast %scan3A_52 : i32 to index
      %swap3A_76 = arith.constant 0 : index
      %swap3A_77 = tpu.vector_load %arg10[%swap3A_75, %swap3A_76] {strides = array<i32>} : memref<125x80xi32, #tpu.memory_space<vmem>>, vector<1x16xi32>,
      %swap3A_78 = vector.shape_cast %swap3A_77 : vector<1x16xi32> to vector<16xi32>
      %swap3A_79 = vector.shape_cast %add3A_74 : vector<16xi32> to vector<1x16xi32>
      tpu.vector_store %arg10[%swap3A_75, %swap3A_76], %swap3A_79 {strides = array<i32>} : memref<125x80xi32, #tpu.memory_space<vmem>>, vector<1x16xi32>,
      %get3A_80 = arith.index_cast %scan3A_52 : i32 to index
      %get3A_81 = arith.constant 16 : index
      %get3A_82 = tpu.vector_load %arg7[%get3A_80, %get3A_81] {strides = array<i32>} : memref<125x80xi32, #tpu.memory_space<vmem>>, vector<1x16xi32>,
      %get3A_83 = vector.shape_cast %get3A_82 : vector<1x16xi32> to vector<16xi32>
      %mul3A_84 = arith.constant 10000 : i32
      %mul3A_85 = vector.broadcast %mul3A_84 : i32 to vector<16xi32>
      %mul3A_86 = arith.muli %get3A_83, %mul3A_85 : vector<16xi32>
      %get3A_87 = arith.index_cast %scan3A_52 : i32 to index
      %get3A_88 = arith.constant 16 : index
      %get3A_89 = tpu.vector_load %arg8[%get3A_87, %get3A_88] {strides = array<i32>} : memref<125x80xi32, #tpu.memory_space<vmem>>, vector<1x16xi32>,
      %get3A_90 = vector.shape_cast %get3A_89 : vector<1x16xi32> to vector<16xi32>
      %add3A_91 = arith.addi %mul3A_86, %get3A_90 : vector<16xi32>
      %swap3A_92 = arith.index_cast %scan3A_52 : i32 to index
      %swap3A_93 = arith.constant 16 : index
      %swap3A_94 = tpu.vector_load %arg9[%swap3A_92, %swap3A_93] {strides = array<i32>} : memref<125x80xi32, #tpu.memory_space<vmem>>, vector<1x16xi32>,
      %swap3A_95 = vector.shape_cast %swap3A_94 : vector<1x16xi32> to vector<16xi32>
      %swap3A_96 = vector.shape_cast %add3A_91 : vector<16xi32> to vector<1x16xi32>
      tpu.vector_store %arg9[%swap3A_92, %swap3A_93], %swap3A_96 {strides = array<i32>} : memref<125x80xi32, #tpu.memory_space<vmem>>, vector<1x16xi32>,
      %add3A_97 = arith.addi %mul3A_2, %scan3A_52 : i32
      %mul3A_98 = arith.constant 80 : i32
      %mul3A_99 = arith.muli %add3A_97, %mul3A_98 : i32
      %add3A_100 = arith.constant 16 : i32
      %add3A_101 = arith.addi %mul3A_99, %add3A_100 : i32
      %iota3A_102 = tpu.iota {dimensions = array<i32: 0>} : vector<16xi32>
      %add3A_103 = vector.broadcast %add3A_101 : i32 to vector<16xi32>
      %add3A_104 = arith.addi %add3A_103, %iota3A_102 : vector<16xi32>
      %swap3A_105 = arith.index_cast %scan3A_52 : i32 to index
      %swap3A_106 = arith.constant 16 : index
      %swap3A_107 = tpu.vector_load %arg10[%swap3A_105, %swap3A_106] {strides = array<i32>} : memref<125x80xi32, #tpu.memory_space<vmem>>, vector<1x16xi32>,
      %swap3A_108 = vector.shape_cast %swap3A_107 : vector<1x16xi32> to vector<16xi32>
      %swap3A_109 = vector.shape_cast %add3A_104 : vector<16xi32> to vector<1x16xi32>
      tpu.vector_store %arg10[%swap3A_105, %swap3A_106], %swap3A_109 {strides = array<i32>} : memref<125x80xi32, #tpu.memory_space<vmem>>, vector<1x16xi32>,
      %get3A_110 = arith.index_cast %scan3A_52 : i32 to index
      %get3A_111 = arith.constant 32 : index
      %get3A_112 = tpu.vector_load %arg7[%get3A_110, %get3A_111] {strides = array<i32>} : memref<125x80xi32, #tpu.memory_space<vmem>>, vector<1x16xi32>,
      %get3A_113 = vector.shape_cast %get3A_112 : vector<1x16xi32> to vector<16xi32>
      %mul3A_114 = arith.constant 10000 : i32
      %mul3A_115 = vector.broadcast %mul3A_114 : i32 to vector<16xi32>
      %mul3A_116 = arith.muli %get3A_113, %mul3A_115 : vector<16xi32>
      %get3A_117 = arith.index_cast %scan3A_52 : i32 to index
      %get3A_118 = arith.constant 32 : index
      %get3A_119 = tpu.vector_load %arg8[%get3A_117, %get3A_118] {strides = array<i32>} : memref<125x80xi32, #tpu.memory_space<vmem>>, vector<1x16xi32>,
      %get3A_120 = vector.shape_cast %get3A_119 : vector<1x16xi32> to vector<16xi32>
      %add3A_121 = arith.addi %mul3A_116, %get3A_120 : vector<16xi32>
      %swap3A_122 = arith.index_cast %scan3A_52 : i32 to index
      %swap3A_123 = arith.constant 32 : index
      %swap3A_124 = tpu.vector_load %arg9[%swap3A_122, %swap3A_123] {strides = array<i32>} : memref<125x80xi32, #tpu.memory_space<vmem>>, vector<1x16xi32>,
      %swap3A_125 = vector.shape_cast %swap3A_124 : vector<1x16xi32> to vector<16xi32>
      %swap3A_126 = vector.shape_cast %add3A_121 : vector<16xi32> to vector<1x16xi32>
      tpu.vector_store %arg9[%swap3A_122, %swap3A_123], %swap3A_126 {strides = array<i32>} : memref<125x80xi32, #tpu.memory_space<vmem>>, vector<1x16xi32>,
      %add3A_127 = arith.addi %mul3A_2, %scan3A_52 : i32
      %mul3A_128 = arith.constant 80 : i32
      %mul3A_129 = arith.muli %add3A_127, %mul3A_128 : i32
      %add3A_130 = arith.constant 32 : i32
      %add3A_131 = arith.addi %mul3A_129, %add3A_130 : i32
      %iota3A_132 = tpu.iota {dimensions = array<i32: 0>} : vector<16xi32>
      %add3A_133 = vector.broadcast %add3A_131 : i32 to vector<16xi32>
      %add3A_134 = arith.addi %add3A_133, %iota3A_132 : vector<16xi32>
      %swap3A_135 = arith.index_cast %scan3A_52 : i32 to index
      %swap3A_136 = arith.constant 32 : index
      %swap3A_137 = tpu.vector_load %arg10[%swap3A_135, %swap3A_136] {strides = array<i32>} : memref<125x80xi32, #tpu.memory_space<vmem>>, vector<1x16xi32>,
      %swap3A_138 = vector.shape_cast %swap3A_137 : vector<1x16xi32> to vector<16xi32>
      %swap3A_139 = vector.shape_cast %add3A_134 : vector<16xi32> to vector<1x16xi32>
      tpu.vector_store %arg10[%swap3A_135, %swap3A_136], %swap3A_139 {strides = array<i32>} : memref<125x80xi32, #tpu.memory_space<vmem>>, vector<1x16xi32>,
      %get3A_140 = arith.index_cast %scan3A_52 : i32 to index
      %get3A_141 = arith.constant 48 : index
      %get3A_142 = tpu.vector_load %arg7[%get3A_140, %get3A_141] {strides = array<i32>} : memref<125x80xi32, #tpu.memory_space<vmem>>, vector<1x16xi32>,
      %get3A_143 = vector.shape_cast %get3A_142 : vector<1x16xi32> to vector<16xi32>
      %mul3A_144 = arith.constant 10000 : i32
      %mul3A_145 = vector.broadcast %mul3A_144 : i32 to vector<16xi32>
      %mul3A_146 = arith.muli %get3A_143, %mul3A_145 : vector<16xi32>
      %get3A_147 = arith.index_cast %scan3A_52 : i32 to index
      %get3A_148 = arith.constant 48 : index
      %get3A_149 = tpu.vector_load %arg8[%get3A_147, %get3A_148] {strides = array<i32>} : memref<125x80xi32, #tpu.memory_space<vmem>>, vector<1x16xi32>,
      %get3A_150 = vector.shape_cast %get3A_149 : vector<1x16xi32> to vector<16xi32>
      %add3A_151 = arith.addi %mul3A_146, %get3A_150 : vector<16xi32>
      %swap3A_152 = arith.index_cast %scan3A_52 : i32 to index
      %swap3A_153 = arith.constant 48 : index
      %swap3A_154 = tpu.vector_load %arg9[%swap3A_152, %swap3A_153] {strides = array<i32>} : memref<125x80xi32, #tpu.memory_space<vmem>>, vector<1x16xi32>,
      %swap3A_155 = vector.shape_cast %swap3A_154 : vector<1x16xi32> to vector<16xi32>
      %swap3A_156 = vector.shape_cast %add3A_151 : vector<16xi32> to vector<1x16xi32>
      tpu.vector_store %arg9[%swap3A_152, %swap3A_153], %swap3A_156 {strides = array<i32>} : memref<125x80xi32, #tpu.memory_space<vmem>>, vector<1x16xi32>,
      %add3A_157 = arith.addi %mul3A_2, %scan3A_52 : i32
      %mul3A_158 = arith.constant 80 : i32
      %mul3A_159 = arith.muli %add3A_157, %mul3A_158 : i32
      %add3A_160 = arith.constant 48 : i32
      %add3A_161 = arith.addi %mul3A_159, %add3A_160 : i32
      %iota3A_162 = tpu.iota {dimensions = array<i32: 0>} : vector<16xi32>
      %add3A_163 = vector.broadcast %add3A_161 : i32 to vector<16xi32>
      %add3A_164 = arith.addi %add3A_163, %iota3A_162 : vector<16xi32>
      %swap3A_165 = arith.index_cast %scan3A_52 : i32 to index
      %swap3A_166 = arith.constant 48 : index
      %swap3A_167 = tpu.vector_load %arg10[%swap3A_165, %swap3A_166] {strides = array<i32>} : memref<125x80xi32, #tpu.memory_space<vmem>>, vector<1x16xi32>,
      %swap3A_168 = vector.shape_cast %swap3A_167 : vector<1x16xi32> to vector<16xi32>
      %swap3A_169 = vector.shape_cast %add3A_164 : vector<16xi32> to vector<1x16xi32>
      tpu.vector_store %arg10[%swap3A_165, %swap3A_166], %swap3A_169 {strides = array<i32>} : memref<125x80xi32, #tpu.memory_space<vmem>>, vector<1x16xi32>,
      %get3A_170 = arith.index_cast %scan3A_52 : i32 to index
      %get3A_171 = arith.constant 64 : index
      %get3A_172 = tpu.vector_load %arg7[%get3A_170, %get3A_171] {strides = array<i32>} : memref<125x80xi32, #tpu.memory_space<vmem>>, vector<1x16xi32>,
      %get3A_173 = vector.shape_cast %get3A_172 : vector<1x16xi32> to vector<16xi32>
      %mul3A_174 = arith.constant 10000 : i32
      %mul3A_175 = vector.broadcast %mul3A_174 : i32 to vector<16xi32>
      %mul3A_176 = arith.muli %get3A_173, %mul3A_175 : vector<16xi32>
      %get3A_177 = arith.index_cast %scan3A_52 : i32 to index
      %get3A_178 = arith.constant 64 : index
      %get3A_179 = tpu.vector_load %arg8[%get3A_177, %get3A_178] {strides = array<i32>} : memref<125x80xi32, #tpu.memory_space<vmem>>, vector<1x16xi32>,
      %get3A_180 = vector.shape_cast %get3A_179 : vector<1x16xi32> to vector<16xi32>
      %add3A_181 = arith.addi %mul3A_176, %get3A_180 : vector<16xi32>
      %swap3A_182 = arith.index_cast %scan3A_52 : i32 to index
      %swap3A_183 = arith.constant 64 : index
      %swap3A_184 = tpu.vector_load %arg9[%swap3A_182, %swap3A_183] {strides = array<i32>} : memref<125x80xi32, #tpu.memory_space<vmem>>, vector<1x16xi32>,
      %swap3A_185 = vector.shape_cast %swap3A_184 : vector<1x16xi32> to vector<16xi32>
      %swap3A_186 = vector.shape_cast %add3A_181 : vector<16xi32> to vector<1x16xi32>
      tpu.vector_store %arg9[%swap3A_182, %swap3A_183], %swap3A_186 {strides = array<i32>} : memref<125x80xi32, #tpu.memory_space<vmem>>, vector<1x16xi32>,
      %add3A_187 = arith.addi %mul3A_2, %scan3A_52 : i32
      %mul3A_188 = arith.constant 80 : i32
      %mul3A_189 = arith.muli %add3A_187, %mul3A_188 : i32
      %add3A_190 = arith.constant 64 : i32
      %add3A_191 = arith.addi %mul3A_189, %add3A_190 : i32
      %iota3A_192 = tpu.iota {dimensions = array<i32: 0>} : vector<16xi32>
      %add3A_193 = vector.broadcast %add3A_191 : i32 to vector<16xi32>
      %add3A_194 = arith.addi %add3A_193, %iota3A_192 : vector<16xi32>
      %swap3A_195 = arith.index_cast %scan3A_52 : i32 to index
      %swap3A_196 = arith.constant 64 : index
      %swap3A_197 = tpu.vector_load %arg10[%swap3A_195, %swap3A_196] {strides = array<i32>} : memref<125x80xi32, #tpu.memory_space<vmem>>, vector<1x16xi32>,
      %swap3A_198 = vector.shape_cast %swap3A_197 : vector<1x16xi32> to vector<16xi32>
      %swap3A_199 = vector.shape_cast %add3A_194 : vector<16xi32> to vector<1x16xi32>
      tpu.vector_store %arg10[%swap3A_195, %swap3A_196], %swap3A_199 {strides = array<i32>} : memref<125x80xi32, #tpu.memory_space<vmem>>, vector<1x16xi32>,
    }
    %scan3A_9 = arith.constant 125 : i32
    %scan3A_10 = arith.constant 0 : i32
    %scan3A_11 = arith.constant 0 : i32
    %scan3A_12 = arith.constant 0 : i32
    %scan3A_13 = arith.constant 0 : i32
    %scan3A_14 = arith.constant 125 : i32
    %scan3A_15 = arith.addi %scan3A_13, %scan3A_14 : i32
    %scan3A_16 = arith.constant 1 : i32
    scf.for %scan3A_52 = %scan3A_13 to %scan3A_15 step %scan3A_16  : i32 {
      %mul3A_53 = arith.constant 125 : i32
      %mul3A_54 = arith.muli %scan3A_11, %mul3A_53 : i32
      %add3A_55 = arith.addi %mul3A_54, %scan3A_52 : i32
      %dma_start3A = arith.constant 0 : i32
      %dma_start3A_56 = tpu.memref_slice %arg11[%add3A_55, %dma_start3A] : memref<125x80xi32, #tpu.memory_space<vmem>> -> memref<1x80xi32, #tpu.memory_space<vmem>>
      %dma_start3A_57 = tpu.memref_squeeze %dma_start3A_56 : memref<1x80xi32, #tpu.memory_space<vmem>> -> memref<80xi32, #tpu.memory_space<vmem>>
      %dma_start3A_58 = arith.constant 0 : i32
      %dma_start3A_59 = tpu.memref_slice %arg9[%add3A_55, %dma_start3A_58] : memref<125x80xi32, #tpu.memory_space<vmem>> -> memref<1x80xi32, #tpu.memory_space<vmem>>
      %dma_start3A_60 = tpu.memref_squeeze %dma_start3A_59 : memref<1x80xi32, #tpu.memory_space<vmem>> -> memref<80xi32, #tpu.memory_space<vmem>>
      %dma_start3A_61 = arith.constant 0 : i32
      %dma_start3A_62 = tpu.memref_slice %arg4[%dma_start3A_61] : memref<100000000xi32, #tpu.memory_space<hbm>> -> memref<100000000xi32, #tpu.memory_space<hbm>>
      tpu.enqueue_indirect_dma source(%dma_start3A_62 : memref<100000000xi32, #tpu.memory_space<hbm>>) target(%dma_start3A_57 : memref<80xi32, #tpu.memory_space<vmem>>) offsets(%dma_start3A_60 : memref<80xi32, #tpu.memory_space<vmem>>) semaphore(%arg16 : memref<!tpu.dma_semaphore, #tpu.memory_space<semaphore_mem>>)
    }
    %scan3A_17 = arith.constant 125 : i32
    %scan3A_18 = arith.constant 0 : i32
    %scan3A_19 = arith.constant 0 : i32
    %scan3A_20 = arith.constant 125 : i32
    %scan3A_21 = arith.addi %scan3A_19, %scan3A_20 : i32
    %scan3A_22 = arith.constant 1 : i32
    scf.for %scan3A_52 = %scan3A_19 to %scan3A_21 step %scan3A_22  : i32 {
      %mul3A_53 = arith.constant 125 : i32
      %mul3A_54 = arith.muli %scan3A_11, %mul3A_53 : i32
      %add3A_55 = arith.addi %mul3A_54, %scan3A_52 : i32
      %dma_wait3A = arith.constant 0 : i32
      %dma_wait3A_56 = tpu.memref_slice %arg11[%add3A_55, %dma_wait3A] : memref<125x80xi32, #tpu.memory_space<vmem>> -> memref<1x80xi32, #tpu.memory_space<vmem>>
      %dma_wait3A_57 = tpu.memref_squeeze %dma_wait3A_56 : memref<1x80xi32, #tpu.memory_space<vmem>> -> memref<80xi32, #tpu.memory_space<vmem>>
      %dma_wait3A_58 = arith.constant 0 : i32
      %dma_wait3A_59 = tpu.memref_slice %arg9[%add3A_55, %dma_wait3A_58] : memref<125x80xi32, #tpu.memory_space<vmem>> -> memref<1x80xi32, #tpu.memory_space<vmem>>
      %dma_wait3A_60 = tpu.memref_squeeze %dma_wait3A_59 : memref<1x80xi32, #tpu.memory_space<vmem>> -> memref<80xi32, #tpu.memory_space<vmem>>
      %dma_wait3A_61 = arith.constant 0 : i32
      %dma_wait3A_62 = tpu.memref_slice %arg4[%dma_wait3A_61] : memref<100000000xi32, #tpu.memory_space<hbm>> -> memref<100000000xi32, #tpu.memory_space<hbm>>
      tpu.wait_indirect_dma semaphore(%arg16 : memref<!tpu.dma_semaphore, #tpu.memory_space<semaphore_mem>>) src(%dma_wait3A_62 : memref<100000000xi32, #tpu.memory_space<hbm>>) dst(%dma_wait3A_57 : memref<80xi32, #tpu.memory_space<vmem>>)
    }
    %scan3A_23 = arith.constant 125 : i32
    %scan3A_24 = arith.constant 1 : i32
    %scan3A_25 = arith.constant 0 : i32
    %scan3A_26 = arith.constant 0 : i32
    %scan3A_27 = arith.constant 125 : i32
    %scan3A_28 = arith.addi %scan3A_26, %scan3A_27 : i32
    %scan3A_29 = arith.constant 1 : i32
    scf.for %scan3A_52 = %scan3A_26 to %scan3A_28 step %scan3A_29  : i32 {
      %get3A = arith.index_cast %scan3A_52 : i32 to index
      %get3A_53 = arith.constant 0 : index
      %get3A_54 = tpu.vector_load %arg11[%get3A, %get3A_53] {strides = array<i32>} : memref<125x80xi32, #tpu.memory_space<vmem>>, vector<1x16xi32>,
      %get3A_55 = vector.shape_cast %get3A_54 : vector<1x16xi32> to vector<16xi32>
      %get3A_56 = arith.index_cast %scan3A_52 : i32 to index
      %get3A_57 = arith.constant 0 : index
      %get3A_58 = tpu.vector_load %arg10[%get3A_56, %get3A_57] {strides = array<i32>} : memref<125x80xi32, #tpu.memory_space<vmem>>, vector<1x16xi32>,
      %get3A_59 = vector.shape_cast %get3A_58 : vector<1x16xi32> to vector<16xi32>
      %sub3A = arith.subi %get3A_55, %get3A_59 : vector<16xi32>
      %abs3A = math.absi %sub3A : vector<16xi32>
      %min3A = arith.constant 1 : i32
      %min3A_60 = vector.broadcast %min3A : i32 to vector<16xi32>
      %min3A_61 = arith.minsi %abs3A, %min3A_60 : vector<16xi32>
      %sub3A_62 = arith.constant 1 : i32
      %sub3A_63 = vector.broadcast %sub3A_62 : i32 to vector<16xi32>
      %sub3A_64 = arith.subi %sub3A_63, %min3A_61 : vector<16xi32>
      %swap3A = arith.index_cast %scan3A_52 : i32 to index
      %swap3A_65 = arith.constant 0 : index
      %swap3A_66 = tpu.vector_load %arg12[%swap3A, %swap3A_65] {strides = array<i32>} : memref<125x80xi32, #tpu.memory_space<vmem>>, vector<1x16xi32>,
      %swap3A_67 = vector.shape_cast %swap3A_66 : vector<1x16xi32> to vector<16xi32>
      %swap3A_68 = vector.shape_cast %sub3A_64 : vector<16xi32> to vector<1x16xi32>
      tpu.vector_store %arg12[%swap3A, %swap3A_65], %swap3A_68 {strides = array<i32>} : memref<125x80xi32, #tpu.memory_space<vmem>>, vector<1x16xi32>,
      %get3A_69 = arith.index_cast %scan3A_52 : i32 to index
      %get3A_70 = arith.constant 16 : index
      %get3A_71 = tpu.vector_load %arg11[%get3A_69, %get3A_70] {strides = array<i32>} : memref<125x80xi32, #tpu.memory_space<vmem>>, vector<1x16xi32>,
      %get3A_72 = vector.shape_cast %get3A_71 : vector<1x16xi32> to vector<16xi32>
      %get3A_73 = arith.index_cast %scan3A_52 : i32 to index
      %get3A_74 = arith.constant 16 : index
      %get3A_75 = tpu.vector_load %arg10[%get3A_73, %get3A_74] {strides = array<i32>} : memref<125x80xi32, #tpu.memory_space<vmem>>, vector<1x16xi32>,
      %get3A_76 = vector.shape_cast %get3A_75 : vector<1x16xi32> to vector<16xi32>
      %sub3A_77 = arith.subi %get3A_72, %get3A_76 : vector<16xi32>
      %abs3A_78 = math.absi %sub3A_77 : vector<16xi32>
      %min3A_79 = arith.constant 1 : i32
      %min3A_80 = vector.broadcast %min3A_79 : i32 to vector<16xi32>
      %min3A_81 = arith.minsi %abs3A_78, %min3A_80 : vector<16xi32>
      %sub3A_82 = arith.constant 1 : i32
      %sub3A_83 = vector.broadcast %sub3A_82 : i32 to vector<16xi32>
      %sub3A_84 = arith.subi %sub3A_83, %min3A_81 : vector<16xi32>
      %swap3A_85 = arith.index_cast %scan3A_52 : i32 to index
      %swap3A_86 = arith.constant 16 : index
      %swap3A_87 = tpu.vector_load %arg12[%swap3A_85, %swap3A_86] {strides = array<i32>} : memref<125x80xi32, #tpu.memory_space<vmem>>, vector<1x16xi32>,
      %swap3A_88 = vector.shape_cast %swap3A_87 : vector<1x16xi32> to vector<16xi32>
      %swap3A_89 = vector.shape_cast %sub3A_84 : vector<16xi32> to vector<1x16xi32>
      tpu.vector_store %arg12[%swap3A_85, %swap3A_86], %swap3A_89 {strides = array<i32>} : memref<125x80xi32, #tpu.memory_space<vmem>>, vector<1x16xi32>,
      %get3A_90 = arith.index_cast %scan3A_52 : i32 to index
      %get3A_91 = arith.constant 32 : index
      %get3A_92 = tpu.vector_load %arg11[%get3A_90, %get3A_91] {strides = array<i32>} : memref<125x80xi32, #tpu.memory_space<vmem>>, vector<1x16xi32>,
      %get3A_93 = vector.shape_cast %get3A_92 : vector<1x16xi32> to vector<16xi32>
      %get3A_94 = arith.index_cast %scan3A_52 : i32 to index
      %get3A_95 = arith.constant 32 : index
      %get3A_96 = tpu.vector_load %arg10[%get3A_94, %get3A_95] {strides = array<i32>} : memref<125x80xi32, #tpu.memory_space<vmem>>, vector<1x16xi32>,
      %get3A_97 = vector.shape_cast %get3A_96 : vector<1x16xi32> to vector<16xi32>
      %sub3A_98 = arith.subi %get3A_93, %get3A_97 : vector<16xi32>
      %abs3A_99 = math.absi %sub3A_98 : vector<16xi32>
      %min3A_100 = arith.constant 1 : i32
      %min3A_101 = vector.broadcast %min3A_100 : i32 to vector<16xi32>
      %min3A_102 = arith.minsi %abs3A_99, %min3A_101 : vector<16xi32>
      %sub3A_103 = arith.constant 1 : i32
      %sub3A_104 = vector.broadcast %sub3A_103 : i32 to vector<16xi32>
      %sub3A_105 = arith.subi %sub3A_104, %min3A_102 : vector<16xi32>
      %swap3A_106 = arith.index_cast %scan3A_52 : i32 to index
      %swap3A_107 = arith.constant 32 : index
      %swap3A_108 = tpu.vector_load %arg12[%swap3A_106, %swap3A_107] {strides = array<i32>} : memref<125x80xi32, #tpu.memory_space<vmem>>, vector<1x16xi32>,
      %swap3A_109 = vector.shape_cast %swap3A_108 : vector<1x16xi32> to vector<16xi32>
      %swap3A_110 = vector.shape_cast %sub3A_105 : vector<16xi32> to vector<1x16xi32>
      tpu.vector_store %arg12[%swap3A_106, %swap3A_107], %swap3A_110 {strides = array<i32>} : memref<125x80xi32, #tpu.memory_space<vmem>>, vector<1x16xi32>,
      %get3A_111 = arith.index_cast %scan3A_52 : i32 to index
      %get3A_112 = arith.constant 48 : index
      %get3A_113 = tpu.vector_load %arg11[%get3A_111, %get3A_112] {strides = array<i32>} : memref<125x80xi32, #tpu.memory_space<vmem>>, vector<1x16xi32>,
      %get3A_114 = vector.shape_cast %get3A_113 : vector<1x16xi32> to vector<16xi32>
      %get3A_115 = arith.index_cast %scan3A_52 : i32 to index
      %get3A_116 = arith.constant 48 : index
      %get3A_117 = tpu.vector_load %arg10[%get3A_115, %get3A_116] {strides = array<i32>} : memref<125x80xi32, #tpu.memory_space<vmem>>, vector<1x16xi32>,
      %get3A_118 = vector.shape_cast %get3A_117 : vector<1x16xi32> to vector<16xi32>
      %sub3A_119 = arith.subi %get3A_114, %get3A_118 : vector<16xi32>
      %abs3A_120 = math.absi %sub3A_119 : vector<16xi32>
      %min3A_121 = arith.constant 1 : i32
      %min3A_122 = vector.broadcast %min3A_121 : i32 to vector<16xi32>
      %min3A_123 = arith.minsi %abs3A_120, %min3A_122 : vector<16xi32>
      %sub3A_124 = arith.constant 1 : i32
      %sub3A_125 = vector.broadcast %sub3A_124 : i32 to vector<16xi32>
      %sub3A_126 = arith.subi %sub3A_125, %min3A_123 : vector<16xi32>
      %swap3A_127 = arith.index_cast %scan3A_52 : i32 to index
      %swap3A_128 = arith.constant 48 : index
      %swap3A_129 = tpu.vector_load %arg12[%swap3A_127, %swap3A_128] {strides = array<i32>} : memref<125x80xi32, #tpu.memory_space<vmem>>, vector<1x16xi32>,
      %swap3A_130 = vector.shape_cast %swap3A_129 : vector<1x16xi32> to vector<16xi32>
      %swap3A_131 = vector.shape_cast %sub3A_126 : vector<16xi32> to vector<1x16xi32>
      tpu.vector_store %arg12[%swap3A_127, %swap3A_128], %swap3A_131 {strides = array<i32>} : memref<125x80xi32, #tpu.memory_space<vmem>>, vector<1x16xi32>,
      %get3A_132 = arith.index_cast %scan3A_52 : i32 to index
      %get3A_133 = arith.constant 64 : index
      %get3A_134 = tpu.vector_load %arg11[%get3A_132, %get3A_133] {strides = array<i32>} : memref<125x80xi32, #tpu.memory_space<vmem>>, vector<1x16xi32>,
      %get3A_135 = vector.shape_cast %get3A_134 : vector<1x16xi32> to vector<16xi32>
      %get3A_136 = arith.index_cast %scan3A_52 : i32 to index
      %get3A_137 = arith.constant 64 : index
      %get3A_138 = tpu.vector_load %arg10[%get3A_136, %get3A_137] {strides = array<i32>} : memref<125x80xi32, #tpu.memory_space<vmem>>, vector<1x16xi32>,
      %get3A_139 = vector.shape_cast %get3A_138 : vector<1x16xi32> to vector<16xi32>
      %sub3A_140 = arith.subi %get3A_135, %get3A_139 : vector<16xi32>
      %abs3A_141 = math.absi %sub3A_140 : vector<16xi32>
      %min3A_142 = arith.constant 1 : i32
      %min3A_143 = vector.broadcast %min3A_142 : i32 to vector<16xi32>
      %min3A_144 = arith.minsi %abs3A_141, %min3A_143 : vector<16xi32>
      %sub3A_145 = arith.constant 1 : i32
      %sub3A_146 = vector.broadcast %sub3A_145 : i32 to vector<16xi32>
      %sub3A_147 = arith.subi %sub3A_146, %min3A_144 : vector<16xi32>
      %swap3A_148 = arith.index_cast %scan3A_52 : i32 to index
      %swap3A_149 = arith.constant 64 : index
      %swap3A_150 = tpu.vector_load %arg12[%swap3A_148, %swap3A_149] {strides = array<i32>} : memref<125x80xi32, #tpu.memory_space<vmem>>, vector<1x16xi32>,
      %swap3A_151 = vector.shape_cast %swap3A_150 : vector<1x16xi32> to vector<16xi32>
      %swap3A_152 = vector.shape_cast %sub3A_147 : vector<16xi32> to vector<1x16xi32>
      tpu.vector_store %arg12[%swap3A_148, %swap3A_149], %swap3A_152 {strides = array<i32>} : memref<125x80xi32, #tpu.memory_space<vmem>>, vector<1x16xi32>,
    }
    %scan3A_30 = arith.constant 125 : i32
    %barrier3A = arith.constant 0 : index
    tpu.barrier barrier_id(%barrier3A)
    %scan3A_31 = arith.constant 0 : i32
    %scan3A_32 = arith.constant 0 : i32
    %scan3A_33 = arith.constant 0 : i32
    %scan3A_34 = arith.constant 0 : i32
    %scan3A_35 = arith.constant 125 : i32
    %scan3A_36 = arith.addi %scan3A_34, %scan3A_35 : i32
    %scan3A_37 = arith.constant 1 : i32
    scf.for %scan3A_52 = %scan3A_34 to %scan3A_36 step %scan3A_37  : i32 {
      %mul3A_53 = arith.constant 125 : i32
      %mul3A_54 = arith.muli %scan3A_32, %mul3A_53 : i32
      %add3A_55 = arith.addi %mul3A_54, %scan3A_52 : i32
      %dma_start3A = arith.constant 0 : i32
      %dma_start3A_56 = tpu.memref_slice %arg12[%add3A_55, %dma_start3A] : memref<125x80xi32, #tpu.memory_space<vmem>> -> memref<1x80xi32, #tpu.memory_space<vmem>>
      %dma_start3A_57 = tpu.memref_squeeze %dma_start3A_56 : memref<1x80xi32, #tpu.memory_space<vmem>> -> memref<80xi32, #tpu.memory_space<vmem>>
      %dma_start3A_58 = arith.constant 0 : i32
      %dma_start3A_59 = tpu.memref_slice %arg7[%add3A_55, %dma_start3A_58] : memref<125x80xi32, #tpu.memory_space<vmem>> -> memref<1x80xi32, #tpu.memory_space<vmem>>
      %dma_start3A_60 = tpu.memref_squeeze %dma_start3A_59 : memref<1x80xi32, #tpu.memory_space<vmem>> -> memref<80xi32, #tpu.memory_space<vmem>>
      %dma_start3A_61 = arith.constant 0 : i32
      %dma_start3A_62 = tpu.memref_slice %arg14[%dma_start3A_61] : memref<10000xi32, #tpu.memory_space<vmem_shared>> -> memref<10000xi32, #tpu.memory_space<vmem_shared>>
      tpu.enqueue_indirect_dma source(%dma_start3A_57 : memref<80xi32, #tpu.memory_space<vmem>>) target(%dma_start3A_62 : memref<10000xi32, #tpu.memory_space<vmem_shared>>) offsets(%dma_start3A_60 : memref<80xi32, #tpu.memory_space<vmem>>) semaphore(%arg16 : memref<!tpu.dma_semaphore, #tpu.memory_space<semaphore_mem>>) {add = true}
      %dma_start3A_63 = arith.constant 0 : i32
      %dma_start3A_64 = tpu.memref_slice %arg12[%add3A_55, %dma_start3A_63] : memref<125x80xi32, #tpu.memory_space<vmem>> -> memref<1x80xi32, #tpu.memory_space<vmem>>
      %dma_start3A_65 = tpu.memref_squeeze %dma_start3A_64 : memref<1x80xi32, #tpu.memory_space<vmem>> -> memref<80xi32, #tpu.memory_space<vmem>>
      %dma_start3A_66 = arith.constant 0 : i32
      %dma_start3A_67 = tpu.memref_slice %arg8[%add3A_55, %dma_start3A_66] : memref<125x80xi32, #tpu.memory_space<vmem>> -> memref<1x80xi32, #tpu.memory_space<vmem>>
      %dma_start3A_68 = tpu.memref_squeeze %dma_start3A_67 : memref<1x80xi32, #tpu.memory_space<vmem>> -> memref<80xi32, #tpu.memory_space<vmem>>
      %dma_start3A_69 = arith.constant 0 : i32
      %dma_start3A_70 = tpu.memref_slice %arg15[%dma_start3A_69] : memref<10000xi32, #tpu.memory_space<vmem_shared>> -> memref<10000xi32, #tpu.memory_space<vmem_shared>>
      tpu.enqueue_indirect_dma source(%dma_start3A_65 : memref<80xi32, #tpu.memory_space<vmem>>) target(%dma_start3A_70 : memref<10000xi32, #tpu.memory_space<vmem_shared>>) offsets(%dma_start3A_68 : memref<80xi32, #tpu.memory_space<vmem>>) semaphore(%arg16 : memref<!tpu.dma_semaphore, #tpu.memory_space<semaphore_mem>>) {add = true}
    }
    %scan3A_38 = arith.constant 125 : i32
    %scan3A_39 = arith.constant 0 : i32
    %scan3A_40 = arith.constant 0 : i32
    %scan3A_41 = arith.constant 125 : i32
    %scan3A_42 = arith.addi %scan3A_40, %scan3A_41 : i32
    %scan3A_43 = arith.constant 1 : i32
    scf.for %scan3A_52 = %scan3A_40 to %scan3A_42 step %scan3A_43  : i32 {
      %mul3A_53 = arith.constant 125 : i32
      %mul3A_54 = arith.muli %scan3A_32, %mul3A_53 : i32
      %add3A_55 = arith.addi %mul3A_54, %scan3A_52 : i32
      %dma_wait3A = arith.constant 0 : i32
      %dma_wait3A_56 = tpu.memref_slice %arg12[%add3A_55, %dma_wait3A] : memref<125x80xi32, #tpu.memory_space<vmem>> -> memref<1x80xi32, #tpu.memory_space<vmem>>
      %dma_wait3A_57 = tpu.memref_squeeze %dma_wait3A_56 : memref<1x80xi32, #tpu.memory_space<vmem>> -> memref<80xi32, #tpu.memory_space<vmem>>
      %dma_wait3A_58 = arith.constant 0 : i32
      %dma_wait3A_59 = tpu.memref_slice %arg7[%add3A_55, %dma_wait3A_58] : memref<125x80xi32, #tpu.memory_space<vmem>> -> memref<1x80xi32, #tpu.memory_space<vmem>>
      %dma_wait3A_60 = tpu.memref_squeeze %dma_wait3A_59 : memref<1x80xi32, #tpu.memory_space<vmem>> -> memref<80xi32, #tpu.memory_space<vmem>>
      %dma_wait3A_61 = arith.constant 0 : i32
      %dma_wait3A_62 = tpu.memref_slice %arg14[%dma_wait3A_61] : memref<10000xi32, #tpu.memory_space<vmem_shared>> -> memref<10000xi32, #tpu.memory_space<vmem_shared>>
      tpu.wait_indirect_dma semaphore(%arg16 : memref<!tpu.dma_semaphore, #tpu.memory_space<semaphore_mem>>) src(%dma_wait3A_57 : memref<80xi32, #tpu.memory_space<vmem>>) dst(%dma_wait3A_62 : memref<10000xi32, #tpu.memory_space<vmem_shared>>)
      %dma_wait3A_63 = arith.constant 0 : i32
      %dma_wait3A_64 = tpu.memref_slice %arg12[%add3A_55, %dma_wait3A_63] : memref<125x80xi32, #tpu.memory_space<vmem>> -> memref<1x80xi32, #tpu.memory_space<vmem>>
      %dma_wait3A_65 = tpu.memref_squeeze %dma_wait3A_64 : memref<1x80xi32, #tpu.memory_space<vmem>> -> memref<80xi32, #tpu.memory_space<vmem>>
      %dma_wait3A_66 = arith.constant 0 : i32
      %dma_wait3A_67 = tpu.memref_slice %arg8[%add3A_55, %dma_wait3A_66] : memref<125x80xi32, #tpu.memory_space<vmem>> -> memref<1x80xi32, #tpu.memory_space<vmem>>
      %dma_wait3A_68 = tpu.memref_squeeze %dma_wait3A_67 : memref<1x80xi32, #tpu.memory_space<vmem>> -> memref<80xi32, #tpu.memory_space<vmem>>
      %dma_wait3A_69 = arith.constant 0 : i32
      %dma_wait3A_70 = tpu.memref_slice %arg15[%dma_wait3A_69] : memref<10000xi32, #tpu.memory_space<vmem_shared>> -> memref<10000xi32, #tpu.memory_space<vmem_shared>>
      tpu.wait_indirect_dma semaphore(%arg16 : memref<!tpu.dma_semaphore, #tpu.memory_space<semaphore_mem>>) src(%dma_wait3A_65 : memref<80xi32, #tpu.memory_space<vmem>>) dst(%dma_wait3A_70 : memref<10000xi32, #tpu.memory_space<vmem_shared>>)
    }
    %scan3A_44 = arith.constant 125 : i32
    %scan3A_45 = arith.constant 1 : i32
    %barrier3A_46 = arith.constant 0 : index
    tpu.barrier barrier_id(%barrier3A_46)
    %eq3A_47 = arith.constant 0 : i32
    %eq3A_48 = arith.cmpi eq, %arg1, %eq3A_47 : i32
    %convert_element_type3A_49 = arith.extui %eq3A_48 : i1 to i32
    %cond3A_50 = arith.constant 0 : i32
    %cond3A_51 = arith.cmpi ne, %convert_element_type3A_49, %cond3A_50 : i32
    scf.if %cond3A_51 {
      %run_scoped3A = arith.constant 0 : i32
      "tpu.region"() ({
        %run_scoped3A_53 = tpu.sem_alloc : memref<!tpu.dma_semaphore, #tpu.memory_space<semaphore_mem>>
        %dma_start3A = arith.constant 0 : i32
        %dma_start3A_54 = tpu.memref_slice %arg5[%arg0, %run_scoped3A, %dma_start3A] : memref<2x1x10000xi32, #tpu.memory_space<hbm>> -> memref<1x1x10000xi32, #tpu.memory_space<hbm>>
        %dma_start3A_55 = tpu.memref_squeeze %dma_start3A_54 : memref<1x1x10000xi32, #tpu.memory_space<hbm>> -> memref<10000xi32, #tpu.memory_space<hbm>>
        tpu.enqueue_dma source(%arg14 : memref<10000xi32, #tpu.memory_space<vmem_shared>>) target(%dma_start3A_55 : memref<10000xi32, #tpu.memory_space<hbm>>) target_semaphore(%run_scoped3A_53 : memref<!tpu.dma_semaphore, #tpu.memory_space<semaphore_mem>>)
        %dma_wait3A = arith.constant 0 : i32
        %dma_wait3A_56 = tpu.memref_slice %arg5[%arg0, %run_scoped3A, %dma_wait3A] : memref<2x1x10000xi32, #tpu.memory_space<hbm>> -> memref<1x1x10000xi32, #tpu.memory_space<hbm>>
        %dma_wait3A_57 = tpu.memref_squeeze %dma_wait3A_56 : memref<1x1x10000xi32, #tpu.memory_space<hbm>> -> memref<10000xi32, #tpu.memory_space<hbm>>
        tpu.wait_dma2 semaphore(%run_scoped3A_53 : memref<!tpu.dma_semaphore, #tpu.memory_space<semaphore_mem>>) src(%arg14 : memref<10000xi32, #tpu.memory_space<vmem_shared>>) dst(%dma_wait3A_57 : memref<10000xi32, #tpu.memory_space<hbm>>)
        tpu.yield
      }) : () -> ()
      %run_scoped3A_52 = arith.constant 0 : i32
      "tpu.region"() ({
        %run_scoped3A_53 = tpu.sem_alloc : memref<!tpu.dma_semaphore, #tpu.memory_space<semaphore_mem>>
        %dma_start3A = arith.constant 0 : i32
        %dma_start3A_54 = tpu.memref_slice %arg6[%arg0, %run_scoped3A_52, %dma_start3A] : memref<2x1x10000xi32, #tpu.memory_space<hbm>> -> memref<1x1x10000xi32, #tpu.memory_space<hbm>>
        %dma_start3A_55 = tpu.memref_squeeze %dma_start3A_54 : memref<1x1x10000xi32, #tpu.memory_space<hbm>> -> memref<10000xi32, #tpu.memory_space<hbm>>
        tpu.enqueue_dma source(%arg15 : memref<10000xi32, #tpu.memory_space<vmem_shared>>) target(%dma_start3A_55 : memref<10000xi32, #tpu.memory_space<hbm>>) target_semaphore(%run_scoped3A_53 : memref<!tpu.dma_semaphore, #tpu.memory_space<semaphore_mem>>)
        %dma_wait3A = arith.constant 0 : i32
        %dma_wait3A_56 = tpu.memref_slice %arg6[%arg0, %run_scoped3A_52, %dma_wait3A] : memref<2x1x10000xi32, #tpu.memory_space<hbm>> -> memref<1x1x10000xi32, #tpu.memory_space<hbm>>
        %dma_wait3A_57 = tpu.memref_squeeze %dma_wait3A_56 : memref<1x1x10000xi32, #tpu.memory_space<hbm>> -> memref<10000xi32, #tpu.memory_space<hbm>>
        tpu.wait_dma2 semaphore(%run_scoped3A_53 : memref<!tpu.dma_semaphore, #tpu.memory_space<semaphore_mem>>) src(%arg15 : memref<10000xi32, #tpu.memory_space<vmem_shared>>) dst(%dma_wait3A_57 : memref<10000xi32, #tpu.memory_space<hbm>>)
        tpu.yield
      }) : () -> ()
    } else {
    }
    return
  }
}

#map = affine_map<(d0, d1) -> (0, 0, 0)>
#map1 = affine_map<(d0, d1) -> (0)>
module attributes {stable_mosaic.version = 14 : i64} {
  func.func @p1_scatter(%arg0: i32, %arg1: i32, %arg2: memref<32x125x80xi32, #tpu.memory_space<hbm>>, %arg3: memref<32x125x80xi32, #tpu.memory_space<hbm>>, %arg4: memref<100000000xi32, #tpu.memory_space<hbm>>, %arg5: memref<125x80xi32, #tpu.memory_space<vmem>>, %arg6: memref<125x80xi32, #tpu.memory_space<vmem>>, %arg7: memref<125x80xi32, #tpu.memory_space<vmem>>, %arg8: memref<125x80xi32, #tpu.memory_space<vmem>>, %arg9: memref<!tpu.dma_semaphore, #tpu.memory_space<semaphore_mem>>) attributes {dimension_semantics = [#tpu.dimension_semantics<core_parallel>, #tpu.dimension_semantics<subcore_parallel>], iteration_bounds = array<i64: 2, 16>, scalar_prefetch = 0 : i64, scratch_operands = 5 : i64, tpu.core_type = #tpu.core_type<sc_vector_subcore>, window_params = [{transform_indices = #map}, {transform_indices = #map}, {transform_indices = #map1}]} {
    %mul3A = arith.constant 2 : i32
    %mul3A_0 = arith.muli %arg1, %mul3A : i32
    %add3A = arith.addi %mul3A_0, %arg0 : i32
    %mul3A_1 = arith.constant 125 : i32
    %mul3A_2 = arith.muli %add3A, %mul3A_1 : i32
    "tpu.region"() ({
      %run_scoped3A = tpu.sem_alloc : memref<!tpu.dma_semaphore, #tpu.memory_space<semaphore_mem>>
      %dma_start3A = arith.constant 0 : i32
      %dma_start3A_23 = arith.constant 0 : i32
      %dma_start3A_24 = tpu.memref_slice %arg2[%add3A, %dma_start3A, %dma_start3A_23] : memref<32x125x80xi32, #tpu.memory_space<hbm>> -> memref<1x125x80xi32, #tpu.memory_space<hbm>>
      %dma_start3A_25 = tpu.memref_squeeze %dma_start3A_24 : memref<1x125x80xi32, #tpu.memory_space<hbm>> -> memref<125x80xi32, #tpu.memory_space<hbm>>
      %dma_start3A_26 = arith.constant 0 : i32
      %dma_start3A_27 = arith.constant 0 : i32
      %dma_start3A_28 = tpu.memref_slice %arg2[%add3A, %dma_start3A_26, %dma_start3A_27] : memref<32x125x80xi32, #tpu.memory_space<hbm>> -> memref<1x125x80xi32, #tpu.memory_space<hbm>>
      %dma_start3A_29 = tpu.memref_squeeze %dma_start3A_28 : memref<1x125x80xi32, #tpu.memory_space<hbm>> -> memref<125x80xi32, #tpu.memory_space<hbm>>
      tpu.enqueue_dma source(%dma_start3A_29 : memref<125x80xi32, #tpu.memory_space<hbm>>) target(%arg5 : memref<125x80xi32, #tpu.memory_space<vmem>>) target_semaphore(%run_scoped3A : memref<!tpu.dma_semaphore, #tpu.memory_space<semaphore_mem>>)
      %dma_wait3A = arith.constant 0 : i32
      %dma_wait3A_30 = arith.constant 0 : i32
      %dma_wait3A_31 = tpu.memref_slice %arg2[%add3A, %dma_wait3A, %dma_wait3A_30] : memref<32x125x80xi32, #tpu.memory_space<hbm>> -> memref<1x125x80xi32, #tpu.memory_space<hbm>>
      %dma_wait3A_32 = tpu.memref_squeeze %dma_wait3A_31 : memref<1x125x80xi32, #tpu.memory_space<hbm>> -> memref<125x80xi32, #tpu.memory_space<hbm>>
      %dma_wait3A_33 = arith.constant 0 : i32
      %dma_wait3A_34 = arith.constant 0 : i32
      %dma_wait3A_35 = tpu.memref_slice %arg2[%add3A, %dma_wait3A_33, %dma_wait3A_34] : memref<32x125x80xi32, #tpu.memory_space<hbm>> -> memref<1x125x80xi32, #tpu.memory_space<hbm>>
      %dma_wait3A_36 = tpu.memref_squeeze %dma_wait3A_35 : memref<1x125x80xi32, #tpu.memory_space<hbm>> -> memref<125x80xi32, #tpu.memory_space<hbm>>
      tpu.wait_dma2 semaphore(%run_scoped3A : memref<!tpu.dma_semaphore, #tpu.memory_space<semaphore_mem>>) src(%dma_wait3A_36 : memref<125x80xi32, #tpu.memory_space<hbm>>) dst(%arg5 : memref<125x80xi32, #tpu.memory_space<vmem>>)
      tpu.yield
    }) : () -> ()
    "tpu.region"() ({
      %run_scoped3A = tpu.sem_alloc : memref<!tpu.dma_semaphore, #tpu.memory_space<semaphore_mem>>
      %dma_start3A = arith.constant 0 : i32
      %dma_start3A_23 = arith.constant 0 : i32
      %dma_start3A_24 = tpu.memref_slice %arg3[%add3A, %dma_start3A, %dma_start3A_23] : memref<32x125x80xi32, #tpu.memory_space<hbm>> -> memref<1x125x80xi32, #tpu.memory_space<hbm>>
      %dma_start3A_25 = tpu.memref_squeeze %dma_start3A_24 : memref<1x125x80xi32, #tpu.memory_space<hbm>> -> memref<125x80xi32, #tpu.memory_space<hbm>>
      %dma_start3A_26 = arith.constant 0 : i32
      %dma_start3A_27 = arith.constant 0 : i32
      %dma_start3A_28 = tpu.memref_slice %arg3[%add3A, %dma_start3A_26, %dma_start3A_27] : memref<32x125x80xi32, #tpu.memory_space<hbm>> -> memref<1x125x80xi32, #tpu.memory_space<hbm>>
      %dma_start3A_29 = tpu.memref_squeeze %dma_start3A_28 : memref<1x125x80xi32, #tpu.memory_space<hbm>> -> memref<125x80xi32, #tpu.memory_space<hbm>>
      tpu.enqueue_dma source(%dma_start3A_29 : memref<125x80xi32, #tpu.memory_space<hbm>>) target(%arg6 : memref<125x80xi32, #tpu.memory_space<vmem>>) target_semaphore(%run_scoped3A : memref<!tpu.dma_semaphore, #tpu.memory_space<semaphore_mem>>)
      %dma_wait3A = arith.constant 0 : i32
      %dma_wait3A_30 = arith.constant 0 : i32
      %dma_wait3A_31 = tpu.memref_slice %arg3[%add3A, %dma_wait3A, %dma_wait3A_30] : memref<32x125x80xi32, #tpu.memory_space<hbm>> -> memref<1x125x80xi32, #tpu.memory_space<hbm>>
      %dma_wait3A_32 = tpu.memref_squeeze %dma_wait3A_31 : memref<1x125x80xi32, #tpu.memory_space<hbm>> -> memref<125x80xi32, #tpu.memory_space<hbm>>
      %dma_wait3A_33 = arith.constant 0 : i32
      %dma_wait3A_34 = arith.constant 0 : i32
      %dma_wait3A_35 = tpu.memref_slice %arg3[%add3A, %dma_wait3A_33, %dma_wait3A_34] : memref<32x125x80xi32, #tpu.memory_space<hbm>> -> memref<1x125x80xi32, #tpu.memory_space<hbm>>
      %dma_wait3A_36 = tpu.memref_squeeze %dma_wait3A_35 : memref<1x125x80xi32, #tpu.memory_space<hbm>> -> memref<125x80xi32, #tpu.memory_space<hbm>>
      tpu.wait_dma2 semaphore(%run_scoped3A : memref<!tpu.dma_semaphore, #tpu.memory_space<semaphore_mem>>) src(%dma_wait3A_36 : memref<125x80xi32, #tpu.memory_space<hbm>>) dst(%arg6 : memref<125x80xi32, #tpu.memory_space<vmem>>)
      tpu.yield
    }) : () -> ()
    %scan3A = arith.constant 0 : i32
    %scan3A_3 = arith.constant 0 : i32
    %scan3A_4 = arith.constant 125 : i32
    %scan3A_5 = arith.addi %scan3A_3, %scan3A_4 : i32
    %scan3A_6 = arith.constant 1 : i32
    scf.for %scan3A_23 = %scan3A_3 to %scan3A_5 step %scan3A_6  : i32 {
      %get3A = arith.index_cast %scan3A_23 : i32 to index
      %get3A_24 = arith.constant 0 : index
      %get3A_25 = tpu.vector_load %arg5[%get3A, %get3A_24] {strides = array<i32>} : memref<125x80xi32, #tpu.memory_space<vmem>>, vector<1x16xi32>,
      %get3A_26 = vector.shape_cast %get3A_25 : vector<1x16xi32> to vector<16xi32>
      %mul3A_27 = arith.constant 10000 : i32
      %mul3A_28 = vector.broadcast %mul3A_27 : i32 to vector<16xi32>
      %mul3A_29 = arith.muli %get3A_26, %mul3A_28 : vector<16xi32>
      %get3A_30 = arith.index_cast %scan3A_23 : i32 to index
      %get3A_31 = arith.constant 0 : index
      %get3A_32 = tpu.vector_load %arg6[%get3A_30, %get3A_31] {strides = array<i32>} : memref<125x80xi32, #tpu.memory_space<vmem>>, vector<1x16xi32>,
      %get3A_33 = vector.shape_cast %get3A_32 : vector<1x16xi32> to vector<16xi32>
      %add3A_34 = arith.addi %mul3A_29, %get3A_33 : vector<16xi32>
      %swap3A = arith.index_cast %scan3A_23 : i32 to index
      %swap3A_35 = arith.constant 0 : index
      %swap3A_36 = tpu.vector_load %arg7[%swap3A, %swap3A_35] {strides = array<i32>} : memref<125x80xi32, #tpu.memory_space<vmem>>, vector<1x16xi32>,
      %swap3A_37 = vector.shape_cast %swap3A_36 : vector<1x16xi32> to vector<16xi32>
      %swap3A_38 = vector.shape_cast %add3A_34 : vector<16xi32> to vector<1x16xi32>
      tpu.vector_store %arg7[%swap3A, %swap3A_35], %swap3A_38 {strides = array<i32>} : memref<125x80xi32, #tpu.memory_space<vmem>>, vector<1x16xi32>,
      %add3A_39 = arith.addi %mul3A_2, %scan3A_23 : i32
      %mul3A_40 = arith.constant 80 : i32
      %mul3A_41 = arith.muli %add3A_39, %mul3A_40 : i32
      %add3A_42 = arith.constant 0 : i32
      %add3A_43 = arith.addi %mul3A_41, %add3A_42 : i32
      %iota3A = tpu.iota {dimensions = array<i32: 0>} : vector<16xi32>
      %add3A_44 = vector.broadcast %add3A_43 : i32 to vector<16xi32>
      %add3A_45 = arith.addi %add3A_44, %iota3A : vector<16xi32>
      %swap3A_46 = arith.index_cast %scan3A_23 : i32 to index
      %swap3A_47 = arith.constant 0 : index
      %swap3A_48 = tpu.vector_load %arg8[%swap3A_46, %swap3A_47] {strides = array<i32>} : memref<125x80xi32, #tpu.memory_space<vmem>>, vector<1x16xi32>,
      %swap3A_49 = vector.shape_cast %swap3A_48 : vector<1x16xi32> to vector<16xi32>
      %swap3A_50 = vector.shape_cast %add3A_45 : vector<16xi32> to vector<1x16xi32>
      tpu.vector_store %arg8[%swap3A_46, %swap3A_47], %swap3A_50 {strides = array<i32>} : memref<125x80xi32, #tpu.memory_space<vmem>>, vector<1x16xi32>,
      %get3A_51 = arith.index_cast %scan3A_23 : i32 to index
      %get3A_52 = arith.constant 16 : index
      %get3A_53 = tpu.vector_load %arg5[%get3A_51, %get3A_52] {strides = array<i32>} : memref<125x80xi32, #tpu.memory_space<vmem>>, vector<1x16xi32>,
      %get3A_54 = vector.shape_cast %get3A_53 : vector<1x16xi32> to vector<16xi32>
      %mul3A_55 = arith.constant 10000 : i32
      %mul3A_56 = vector.broadcast %mul3A_55 : i32 to vector<16xi32>
      %mul3A_57 = arith.muli %get3A_54, %mul3A_56 : vector<16xi32>
      %get3A_58 = arith.index_cast %scan3A_23 : i32 to index
      %get3A_59 = arith.constant 16 : index
      %get3A_60 = tpu.vector_load %arg6[%get3A_58, %get3A_59] {strides = array<i32>} : memref<125x80xi32, #tpu.memory_space<vmem>>, vector<1x16xi32>,
      %get3A_61 = vector.shape_cast %get3A_60 : vector<1x16xi32> to vector<16xi32>
      %add3A_62 = arith.addi %mul3A_57, %get3A_61 : vector<16xi32>
      %swap3A_63 = arith.index_cast %scan3A_23 : i32 to index
      %swap3A_64 = arith.constant 16 : index
      %swap3A_65 = tpu.vector_load %arg7[%swap3A_63, %swap3A_64] {strides = array<i32>} : memref<125x80xi32, #tpu.memory_space<vmem>>, vector<1x16xi32>,
      %swap3A_66 = vector.shape_cast %swap3A_65 : vector<1x16xi32> to vector<16xi32>
      %swap3A_67 = vector.shape_cast %add3A_62 : vector<16xi32> to vector<1x16xi32>
      tpu.vector_store %arg7[%swap3A_63, %swap3A_64], %swap3A_67 {strides = array<i32>} : memref<125x80xi32, #tpu.memory_space<vmem>>, vector<1x16xi32>,
      %add3A_68 = arith.addi %mul3A_2, %scan3A_23 : i32
      %mul3A_69 = arith.constant 80 : i32
      %mul3A_70 = arith.muli %add3A_68, %mul3A_69 : i32
      %add3A_71 = arith.constant 16 : i32
      %add3A_72 = arith.addi %mul3A_70, %add3A_71 : i32
      %iota3A_73 = tpu.iota {dimensions = array<i32: 0>} : vector<16xi32>
      %add3A_74 = vector.broadcast %add3A_72 : i32 to vector<16xi32>
      %add3A_75 = arith.addi %add3A_74, %iota3A_73 : vector<16xi32>
      %swap3A_76 = arith.index_cast %scan3A_23 : i32 to index
      %swap3A_77 = arith.constant 16 : index
      %swap3A_78 = tpu.vector_load %arg8[%swap3A_76, %swap3A_77] {strides = array<i32>} : memref<125x80xi32, #tpu.memory_space<vmem>>, vector<1x16xi32>,
      %swap3A_79 = vector.shape_cast %swap3A_78 : vector<1x16xi32> to vector<16xi32>
      %swap3A_80 = vector.shape_cast %add3A_75 : vector<16xi32> to vector<1x16xi32>
      tpu.vector_store %arg8[%swap3A_76, %swap3A_77], %swap3A_80 {strides = array<i32>} : memref<125x80xi32, #tpu.memory_space<vmem>>, vector<1x16xi32>,
      %get3A_81 = arith.index_cast %scan3A_23 : i32 to index
      %get3A_82 = arith.constant 32 : index
      %get3A_83 = tpu.vector_load %arg5[%get3A_81, %get3A_82] {strides = array<i32>} : memref<125x80xi32, #tpu.memory_space<vmem>>, vector<1x16xi32>,
      %get3A_84 = vector.shape_cast %get3A_83 : vector<1x16xi32> to vector<16xi32>
      %mul3A_85 = arith.constant 10000 : i32
      %mul3A_86 = vector.broadcast %mul3A_85 : i32 to vector<16xi32>
      %mul3A_87 = arith.muli %get3A_84, %mul3A_86 : vector<16xi32>
      %get3A_88 = arith.index_cast %scan3A_23 : i32 to index
      %get3A_89 = arith.constant 32 : index
      %get3A_90 = tpu.vector_load %arg6[%get3A_88, %get3A_89] {strides = array<i32>} : memref<125x80xi32, #tpu.memory_space<vmem>>, vector<1x16xi32>,
      %get3A_91 = vector.shape_cast %get3A_90 : vector<1x16xi32> to vector<16xi32>
      %add3A_92 = arith.addi %mul3A_87, %get3A_91 : vector<16xi32>
      %swap3A_93 = arith.index_cast %scan3A_23 : i32 to index
      %swap3A_94 = arith.constant 32 : index
      %swap3A_95 = tpu.vector_load %arg7[%swap3A_93, %swap3A_94] {strides = array<i32>} : memref<125x80xi32, #tpu.memory_space<vmem>>, vector<1x16xi32>,
      %swap3A_96 = vector.shape_cast %swap3A_95 : vector<1x16xi32> to vector<16xi32>
      %swap3A_97 = vector.shape_cast %add3A_92 : vector<16xi32> to vector<1x16xi32>
      tpu.vector_store %arg7[%swap3A_93, %swap3A_94], %swap3A_97 {strides = array<i32>} : memref<125x80xi32, #tpu.memory_space<vmem>>, vector<1x16xi32>,
      %add3A_98 = arith.addi %mul3A_2, %scan3A_23 : i32
      %mul3A_99 = arith.constant 80 : i32
      %mul3A_100 = arith.muli %add3A_98, %mul3A_99 : i32
      %add3A_101 = arith.constant 32 : i32
      %add3A_102 = arith.addi %mul3A_100, %add3A_101 : i32
      %iota3A_103 = tpu.iota {dimensions = array<i32: 0>} : vector<16xi32>
      %add3A_104 = vector.broadcast %add3A_102 : i32 to vector<16xi32>
      %add3A_105 = arith.addi %add3A_104, %iota3A_103 : vector<16xi32>
      %swap3A_106 = arith.index_cast %scan3A_23 : i32 to index
      %swap3A_107 = arith.constant 32 : index
      %swap3A_108 = tpu.vector_load %arg8[%swap3A_106, %swap3A_107] {strides = array<i32>} : memref<125x80xi32, #tpu.memory_space<vmem>>, vector<1x16xi32>,
      %swap3A_109 = vector.shape_cast %swap3A_108 : vector<1x16xi32> to vector<16xi32>
      %swap3A_110 = vector.shape_cast %add3A_105 : vector<16xi32> to vector<1x16xi32>
      tpu.vector_store %arg8[%swap3A_106, %swap3A_107], %swap3A_110 {strides = array<i32>} : memref<125x80xi32, #tpu.memory_space<vmem>>, vector<1x16xi32>,
      %get3A_111 = arith.index_cast %scan3A_23 : i32 to index
      %get3A_112 = arith.constant 48 : index
      %get3A_113 = tpu.vector_load %arg5[%get3A_111, %get3A_112] {strides = array<i32>} : memref<125x80xi32, #tpu.memory_space<vmem>>, vector<1x16xi32>,
      %get3A_114 = vector.shape_cast %get3A_113 : vector<1x16xi32> to vector<16xi32>
      %mul3A_115 = arith.constant 10000 : i32
      %mul3A_116 = vector.broadcast %mul3A_115 : i32 to vector<16xi32>
      %mul3A_117 = arith.muli %get3A_114, %mul3A_116 : vector<16xi32>
      %get3A_118 = arith.index_cast %scan3A_23 : i32 to index
      %get3A_119 = arith.constant 48 : index
      %get3A_120 = tpu.vector_load %arg6[%get3A_118, %get3A_119] {strides = array<i32>} : memref<125x80xi32, #tpu.memory_space<vmem>>, vector<1x16xi32>,
      %get3A_121 = vector.shape_cast %get3A_120 : vector<1x16xi32> to vector<16xi32>
      %add3A_122 = arith.addi %mul3A_117, %get3A_121 : vector<16xi32>
      %swap3A_123 = arith.index_cast %scan3A_23 : i32 to index
      %swap3A_124 = arith.constant 48 : index
      %swap3A_125 = tpu.vector_load %arg7[%swap3A_123, %swap3A_124] {strides = array<i32>} : memref<125x80xi32, #tpu.memory_space<vmem>>, vector<1x16xi32>,
      %swap3A_126 = vector.shape_cast %swap3A_125 : vector<1x16xi32> to vector<16xi32>
      %swap3A_127 = vector.shape_cast %add3A_122 : vector<16xi32> to vector<1x16xi32>
      tpu.vector_store %arg7[%swap3A_123, %swap3A_124], %swap3A_127 {strides = array<i32>} : memref<125x80xi32, #tpu.memory_space<vmem>>, vector<1x16xi32>,
      %add3A_128 = arith.addi %mul3A_2, %scan3A_23 : i32
      %mul3A_129 = arith.constant 80 : i32
      %mul3A_130 = arith.muli %add3A_128, %mul3A_129 : i32
      %add3A_131 = arith.constant 48 : i32
      %add3A_132 = arith.addi %mul3A_130, %add3A_131 : i32
      %iota3A_133 = tpu.iota {dimensions = array<i32: 0>} : vector<16xi32>
      %add3A_134 = vector.broadcast %add3A_132 : i32 to vector<16xi32>
      %add3A_135 = arith.addi %add3A_134, %iota3A_133 : vector<16xi32>
      %swap3A_136 = arith.index_cast %scan3A_23 : i32 to index
      %swap3A_137 = arith.constant 48 : index
      %swap3A_138 = tpu.vector_load %arg8[%swap3A_136, %swap3A_137] {strides = array<i32>} : memref<125x80xi32, #tpu.memory_space<vmem>>, vector<1x16xi32>,
      %swap3A_139 = vector.shape_cast %swap3A_138 : vector<1x16xi32> to vector<16xi32>
      %swap3A_140 = vector.shape_cast %add3A_135 : vector<16xi32> to vector<1x16xi32>
      tpu.vector_store %arg8[%swap3A_136, %swap3A_137], %swap3A_140 {strides = array<i32>} : memref<125x80xi32, #tpu.memory_space<vmem>>, vector<1x16xi32>,
      %get3A_141 = arith.index_cast %scan3A_23 : i32 to index
      %get3A_142 = arith.constant 64 : index
      %get3A_143 = tpu.vector_load %arg5[%get3A_141, %get3A_142] {strides = array<i32>} : memref<125x80xi32, #tpu.memory_space<vmem>>, vector<1x16xi32>,
      %get3A_144 = vector.shape_cast %get3A_143 : vector<1x16xi32> to vector<16xi32>
      %mul3A_145 = arith.constant 10000 : i32
      %mul3A_146 = vector.broadcast %mul3A_145 : i32 to vector<16xi32>
      %mul3A_147 = arith.muli %get3A_144, %mul3A_146 : vector<16xi32>
      %get3A_148 = arith.index_cast %scan3A_23 : i32 to index
      %get3A_149 = arith.constant 64 : index
      %get3A_150 = tpu.vector_load %arg6[%get3A_148, %get3A_149] {strides = array<i32>} : memref<125x80xi32, #tpu.memory_space<vmem>>, vector<1x16xi32>,
      %get3A_151 = vector.shape_cast %get3A_150 : vector<1x16xi32> to vector<16xi32>
      %add3A_152 = arith.addi %mul3A_147, %get3A_151 : vector<16xi32>
      %swap3A_153 = arith.index_cast %scan3A_23 : i32 to index
      %swap3A_154 = arith.constant 64 : index
      %swap3A_155 = tpu.vector_load %arg7[%swap3A_153, %swap3A_154] {strides = array<i32>} : memref<125x80xi32, #tpu.memory_space<vmem>>, vector<1x16xi32>,
      %swap3A_156 = vector.shape_cast %swap3A_155 : vector<1x16xi32> to vector<16xi32>
      %swap3A_157 = vector.shape_cast %add3A_152 : vector<16xi32> to vector<1x16xi32>
      tpu.vector_store %arg7[%swap3A_153, %swap3A_154], %swap3A_157 {strides = array<i32>} : memref<125x80xi32, #tpu.memory_space<vmem>>, vector<1x16xi32>,
      %add3A_158 = arith.addi %mul3A_2, %scan3A_23 : i32
      %mul3A_159 = arith.constant 80 : i32
      %mul3A_160 = arith.muli %add3A_158, %mul3A_159 : i32
      %add3A_161 = arith.constant 64 : i32
      %add3A_162 = arith.addi %mul3A_160, %add3A_161 : i32
      %iota3A_163 = tpu.iota {dimensions = array<i32: 0>} : vector<16xi32>
      %add3A_164 = vector.broadcast %add3A_162 : i32 to vector<16xi32>
      %add3A_165 = arith.addi %add3A_164, %iota3A_163 : vector<16xi32>
      %swap3A_166 = arith.index_cast %scan3A_23 : i32 to index
      %swap3A_167 = arith.constant 64 : index
      %swap3A_168 = tpu.vector_load %arg8[%swap3A_166, %swap3A_167] {strides = array<i32>} : memref<125x80xi32, #tpu.memory_space<vmem>>, vector<1x16xi32>,
      %swap3A_169 = vector.shape_cast %swap3A_168 : vector<1x16xi32> to vector<16xi32>
      %swap3A_170 = vector.shape_cast %add3A_165 : vector<16xi32> to vector<1x16xi32>
      tpu.vector_store %arg8[%swap3A_166, %swap3A_167], %swap3A_170 {strides = array<i32>} : memref<125x80xi32, #tpu.memory_space<vmem>>, vector<1x16xi32>,
    }
    %scan3A_7 = arith.constant 125 : i32
    %scan3A_8 = arith.constant 0 : i32
    %scan3A_9 = arith.constant 0 : i32
    %scan3A_10 = arith.constant 0 : i32
    %scan3A_11 = arith.constant 0 : i32
    %scan3A_12 = arith.constant 125 : i32
    %scan3A_13 = arith.addi %scan3A_11, %scan3A_12 : i32
    %scan3A_14 = arith.constant 1 : i32
    scf.for %scan3A_23 = %scan3A_11 to %scan3A_13 step %scan3A_14  : i32 {
      %mul3A_24 = arith.constant 125 : i32
      %mul3A_25 = arith.muli %scan3A_9, %mul3A_24 : i32
      %add3A_26 = arith.addi %mul3A_25, %scan3A_23 : i32
      %dma_start3A = arith.constant 0 : i32
      %dma_start3A_27 = tpu.memref_slice %arg8[%add3A_26, %dma_start3A] : memref<125x80xi32, #tpu.memory_space<vmem>> -> memref<1x80xi32, #tpu.memory_space<vmem>>
      %dma_start3A_28 = tpu.memref_squeeze %dma_start3A_27 : memref<1x80xi32, #tpu.memory_space<vmem>> -> memref<80xi32, #tpu.memory_space<vmem>>
      %dma_start3A_29 = arith.constant 0 : i32
      %dma_start3A_30 = tpu.memref_slice %arg7[%add3A_26, %dma_start3A_29] : memref<125x80xi32, #tpu.memory_space<vmem>> -> memref<1x80xi32, #tpu.memory_space<vmem>>
      %dma_start3A_31 = tpu.memref_squeeze %dma_start3A_30 : memref<1x80xi32, #tpu.memory_space<vmem>> -> memref<80xi32, #tpu.memory_space<vmem>>
      %dma_start3A_32 = arith.constant 0 : i32
      %dma_start3A_33 = tpu.memref_slice %arg4[%dma_start3A_32] : memref<100000000xi32, #tpu.memory_space<hbm>> -> memref<100000000xi32, #tpu.memory_space<hbm>>
      tpu.enqueue_indirect_dma source(%dma_start3A_28 : memref<80xi32, #tpu.memory_space<vmem>>) target(%dma_start3A_33 : memref<100000000xi32, #tpu.memory_space<hbm>>) offsets(%dma_start3A_31 : memref<80xi32, #tpu.memory_space<vmem>>) semaphore(%arg9 : memref<!tpu.dma_semaphore, #tpu.memory_space<semaphore_mem>>)
    }
    %scan3A_15 = arith.constant 125 : i32
    %scan3A_16 = arith.constant 0 : i32
    %scan3A_17 = arith.constant 0 : i32
    %scan3A_18 = arith.constant 125 : i32
    %scan3A_19 = arith.addi %scan3A_17, %scan3A_18 : i32
    %scan3A_20 = arith.constant 1 : i32
    scf.for %scan3A_23 = %scan3A_17 to %scan3A_19 step %scan3A_20  : i32 {
      %mul3A_24 = arith.constant 125 : i32
      %mul3A_25 = arith.muli %scan3A_9, %mul3A_24 : i32
      %add3A_26 = arith.addi %mul3A_25, %scan3A_23 : i32
      %dma_wait3A = arith.constant 0 : i32
      %dma_wait3A_27 = tpu.memref_slice %arg8[%add3A_26, %dma_wait3A] : memref<125x80xi32, #tpu.memory_space<vmem>> -> memref<1x80xi32, #tpu.memory_space<vmem>>
      %dma_wait3A_28 = tpu.memref_squeeze %dma_wait3A_27 : memref<1x80xi32, #tpu.memory_space<vmem>> -> memref<80xi32, #tpu.memory_space<vmem>>
      %dma_wait3A_29 = arith.constant 0 : i32
      %dma_wait3A_30 = tpu.memref_slice %arg7[%add3A_26, %dma_wait3A_29] : memref<125x80xi32, #tpu.memory_space<vmem>> -> memref<1x80xi32, #tpu.memory_space<vmem>>
      %dma_wait3A_31 = tpu.memref_squeeze %dma_wait3A_30 : memref<1x80xi32, #tpu.memory_space<vmem>> -> memref<80xi32, #tpu.memory_space<vmem>>
      %dma_wait3A_32 = arith.constant 0 : i32
      %dma_wait3A_33 = tpu.memref_slice %arg4[%dma_wait3A_32] : memref<100000000xi32, #tpu.memory_space<hbm>> -> memref<100000000xi32, #tpu.memory_space<hbm>>
      tpu.wait_indirect_dma semaphore(%arg9 : memref<!tpu.dma_semaphore, #tpu.memory_space<semaphore_mem>>) src(%dma_wait3A_28 : memref<80xi32, #tpu.memory_space<vmem>>) dst(%dma_wait3A_33 : memref<100000000xi32, #tpu.memory_space<hbm>>)
    }
    %scan3A_21 = arith.constant 125 : i32
    %scan3A_22 = arith.constant 1 : i32
    return
  }
}

module attributes {stable_mosaic.version = 14 : i64} {
  func.func @_emb_body(%arg0: i32, %arg1: memref<1x1x1000xi32, #tpu.memory_space<vmem>>, %arg2: memref<1x1x1000xi32, #tpu.memory_space<vmem>>, %arg3: memref<1x1x1000xi32, #tpu.memory_space<vmem>>, %arg4: memref<1x1x1000xi32, #tpu.memory_space<vmem>>, %arg5: memref<1000x128xf32, #tpu.memory_space<vmem>>, %arg6: memref<512x128xf32, #tpu.memory_space<vmem>>, %arg7: memref<512x128xf32, #tpu.memory_space<vmem>>, %arg8: memref<1000x128xf32, #tpu.memory_space<vmem>>) attributes {dimension_semantics = [#tpu.dimension_semantics<arbitrary>], iteration_bounds = array<i64: 10>, scalar_prefetch = 0 : i64, scratch_operands = 0 : i64, tpu.core_type = #tpu.core_type<tc>, window_params = [{transform_indices = @transform_0, window_bounds = array<i64: 1, 1, 1000>}, {transform_indices = @transform_1, window_bounds = array<i64: 1, 1, 1000>}, {transform_indices = @transform_2, window_bounds = array<i64: 1, 1, 1000>}, {transform_indices = @transform_3, window_bounds = array<i64: 1, 1, 1000>}, {transform_indices = @transform_4, window_bounds = array<i64: 1000, 128>}, {pipeline_mode = #tpu.pipeline_mode<synchronous>, transform_indices = @transform_5, window_bounds = array<i64: 512, 128>}, {pipeline_mode = #tpu.pipeline_mode<synchronous>, transform_indices = @transform_6, window_bounds = array<i64: 512, 128>}, {transform_indices = @transform_7, window_bounds = array<i64: 1000, 128>}]} {
    %get3A = arith.constant 0 : index
    %get3A_0 = arith.constant 0 : index
    %get3A_1 = arith.constant 0 : index
    %get3A_2 = vector.load %arg1[%get3A, %get3A_0, %get3A_1] : memref<1x1x1000xi32, #tpu.memory_space<vmem>>, vector<1x1x1000xi32>
    %get3A_3 = vector.shape_cast %get3A_2 : vector<1x1x1000xi32> to vector<1000xi32>
    %get3A_4 = arith.constant 0 : index
    %get3A_5 = arith.constant 0 : index
    %get3A_6 = arith.constant 0 : index
    %get3A_7 = vector.load %arg2[%get3A_4, %get3A_5, %get3A_6] : memref<1x1x1000xi32, #tpu.memory_space<vmem>>, vector<1x1x1000xi32>
    %get3A_8 = vector.shape_cast %get3A_7 : vector<1x1x1000xi32> to vector<1000xi32>
    %add3A = arith.addi %get3A_3, %get3A_8 : vector<1000xi32>
    %min3A = arith.constant 511 : i32
    %min3A_9 = vector.broadcast %min3A : i32 to vector<1000xi32>
    %min3A_10 = arith.minsi %add3A, %min3A_9 : vector<1000xi32>
    %get3A_11 = arith.constant 0 : index
    %get3A_12 = arith.constant 0 : index
    %get3A_13 = arith.constant 0 : index
    %get3A_14 = vector.load %arg3[%get3A_11, %get3A_12, %get3A_13] : memref<1x1x1000xi32, #tpu.memory_space<vmem>>, vector<1x1x1000xi32>
    %get3A_15 = vector.shape_cast %get3A_14 : vector<1x1x1000xi32> to vector<1000xi32>
    %get3A_16 = arith.constant 0 : index
    %get3A_17 = arith.constant 0 : index
    %get3A_18 = arith.constant 0 : index
    %get3A_19 = vector.load %arg4[%get3A_16, %get3A_17, %get3A_18] : memref<1x1x1000xi32, #tpu.memory_space<vmem>>, vector<1x1x1000xi32>
    %get3A_20 = vector.shape_cast %get3A_19 : vector<1x1x1000xi32> to vector<1000xi32>
    %add3A_21 = arith.addi %get3A_15, %get3A_20 : vector<1000xi32>
    %min3A_22 = arith.constant 511 : i32
    %min3A_23 = vector.broadcast %min3A_22 : i32 to vector<1000xi32>
    %min3A_24 = arith.minsi %add3A_21, %min3A_23 : vector<1000xi32>
    %iota3A = tpu.iota {dimensions = array<i32: 1>} : vector<1000x512xi32>
    %broadcast_in_dim3A = vector.shape_cast %min3A_10 : vector<1000xi32> to vector<1000x1xi32>
    %eq3A = vector.broadcast %broadcast_in_dim3A : vector<1000x1xi32> to vector<1000x512xi32>
    %eq3A_25 = arith.cmpi eq, %iota3A, %eq3A : vector<1000x512xi32>
    %convert_element_type3A = arith.extui %eq3A_25 : vector<1000x512xi1> to vector<1000x512xi32>
    %convert_element_type3A_26 = arith.sitofp %convert_element_type3A : vector<1000x512xi32> to vector<1000x512xf32>
    %iota3A_27 = tpu.iota {dimensions = array<i32: 1>} : vector<1000x512xi32>
    %broadcast_in_dim3A_28 = vector.shape_cast %min3A_24 : vector<1000xi32> to vector<1000x1xi32>
    %eq3A_29 = vector.broadcast %broadcast_in_dim3A_28 : vector<1000x1xi32> to vector<1000x512xi32>
    %eq3A_30 = arith.cmpi eq, %iota3A_27, %eq3A_29 : vector<1000x512xi32>
    %convert_element_type3A_31 = arith.extui %eq3A_30 : vector<1000x512xi1> to vector<1000x512xi32>
    %convert_element_type3A_32 = arith.sitofp %convert_element_type3A_31 : vector<1000x512xi32> to vector<1000x512xf32>
    %get3A_33 = arith.constant 0 : index
    %get3A_34 = arith.constant 0 : index
    %get3A_35 = vector.load %arg6[%get3A_33, %get3A_34] : memref<512x128xf32, #tpu.memory_space<vmem>>, vector<512x128xf32>
    %dot_general3A = arith.constant dense<0.000000e+00> : vector<1000x128xf32>
    %dot_general3A_36 = tpu.matmul %convert_element_type3A_26, %get3A_35, %dot_general3A {dimension_numbers = #tpu.dot_dimension_numbers<[1], [0], [0], [1], [0, 0, 1, 1], [], []>, transpose_lhs_hint = false} : vector<1000x512xf32>, vector<512x128xf32>, vector<1000x128xf32> -> vector<1000x128xf32>
    %get3A_37 = arith.constant 0 : index
    %get3A_38 = arith.constant 0 : index
    %get3A_39 = vector.load %arg7[%get3A_37, %get3A_38] : memref<512x128xf32, #tpu.memory_space<vmem>>, vector<512x128xf32>
    %dot_general3A_40 = arith.constant dense<0.000000e+00> : vector<1000x128xf32>
    %dot_general3A_41 = tpu.matmul %convert_element_type3A_32, %get3A_39, %dot_general3A_40 {dimension_numbers = #tpu.dot_dimension_numbers<[1], [0], [0], [1], [0, 0, 1, 1], [], []>, transpose_lhs_hint = false} : vector<1000x512xf32>, vector<512x128xf32>, vector<1000x128xf32> -> vector<1000x128xf32>
    %add3A_42 = arith.addf %dot_general3A_36, %dot_general3A_41 : vector<1000x128xf32>
    %get3A_43 = arith.constant 0 : index
    %get3A_44 = arith.constant 0 : index
    %get3A_45 = vector.load %arg5[%get3A_43, %get3A_44] : memref<1000x128xf32, #tpu.memory_space<vmem>>, vector<1000x128xf32>
    %add3A_46 = arith.addf %get3A_45, %add3A_42 : vector<1000x128xf32>
    %swap3A = arith.constant 0 : index
    %swap3A_47 = arith.constant 0 : index
    %swap3A_48 = vector.load %arg8[%swap3A, %swap3A_47] : memref<1000x128xf32, #tpu.memory_space<vmem>>, vector<1000x128xf32>
    tpu.vector_store %arg8[%swap3A, %swap3A_47], %add3A_46 {strides = array<i32>} : memref<1000x128xf32, #tpu.memory_space<vmem>>, vector<1000x128xf32>,
    return
  }
  func.func @transform_0(%arg0: i32) -> (i32, i32, i32) {
    %c0_i32 = arith.constant 0 : i32
    %c0_i32_0 = arith.constant 0 : i32
    %c0_i32_1 = arith.constant 0 : i32
    return %arg0, %c0_i32, %c0_i32_0 : i32, i32, i32
  }
  func.func @transform_1(%arg0: i32) -> (i32, i32, i32) {
    %c0_i32 = arith.constant 0 : i32
    %c0_i32_0 = arith.constant 0 : i32
    %c0_i32_1 = arith.constant 0 : i32
    return %arg0, %c0_i32, %c0_i32_0 : i32, i32, i32
  }
  func.func @transform_2(%arg0: i32) -> (i32, i32, i32) {
    %c0_i32 = arith.constant 0 : i32
    %c0_i32_0 = arith.constant 0 : i32
    %c0_i32_1 = arith.constant 0 : i32
    return %arg0, %c0_i32, %c0_i32_0 : i32, i32, i32
  }
  func.func @transform_3(%arg0: i32) -> (i32, i32, i32) {
    %c0_i32 = arith.constant 0 : i32
    %c0_i32_0 = arith.constant 0 : i32
    %c0_i32_1 = arith.constant 0 : i32
    return %arg0, %c0_i32, %c0_i32_0 : i32, i32, i32
  }
  func.func @transform_4(%arg0: i32) -> (i32, i32) {
    %c0_i32 = arith.constant 0 : i32
    %c0_i32_0 = arith.constant 0 : i32
    return %arg0, %c0_i32 : i32, i32
  }
  func.func @transform_5(%arg0: i32) -> (i32, i32) {
    %c0_i32 = arith.constant 0 : i32
    %c0_i32_0 = arith.constant 0 : i32
    %c0_i32_1 = arith.constant 0 : i32
    return %c0_i32, %c0_i32_0 : i32, i32
  }
  func.func @transform_6(%arg0: i32) -> (i32, i32) {
    %c0_i32 = arith.constant 0 : i32
    %c0_i32_0 = arith.constant 0 : i32
    %c0_i32_1 = arith.constant 0 : i32
    return %c0_i32, %c0_i32_0 : i32, i32
  }
  func.func @transform_7(%arg0: i32) -> (i32, i32) {
    %c0_i32 = arith.constant 0 : i32
    %c0_i32_0 = arith.constant 0 : i32
    return %arg0, %c0_i32 : i32, i32
  }
}

</mosaic_0001>

<sc_bundles>
// kernel: p1_scatter.3.cloned.1.call-start
scs
__scs_entry_jumppad:
0x0: {  	(pc) =	sbr.rel $0x88, $3  }
0x1: {  	(tag) =	ssettag $0x0;
	lr =	simm.s32 $0x1  }
0x2: {  	[smem:$0x3F9D] =	sst lr;
	_ =	strace $0xD0000000  }
0x3: {  	_ = 	snop  }
0x4: {  	_ = 	snop  }
0x5: {  	_ = 	snop  }
0x6: {  	_ = 	snop  }
0x7: {  	_ = 	snop  }
__scs_overlays_trampoline_lowered:
0x8: {  	[smem:$0x3FAC] =	sst s0  }
0x9: {  	[smem:$0x3FAD] =	sst s1  }
0xa: {  	[smem:$0x3FAE] =	sst s2  }
0xb: {  	[smem:$0x3FAF] =	sst s3  }
0xc: {  	[smem:$0x3FB0] =	sst s4  }
0xd: {  	[smem:$0x3FB1] =	sst s5  }
0xe: {  	[smem:$0x3FB2] =	sst s6  }
0xf: {  	[smem:$0x3FB3] =	sst s7  }
0x10: {  	[smem:$0x3FB4] =	sst s8  }
0x11: {  	[smem:$0x3FB5] =	sst s9;
	s0 =	simm.s32 @!p0 $0x0  }
0x12: {  	s1 =	sld [smem:$0x3F9B];
	s0 =	simm.s32 @p0 $0x1  }
0x13: {  	[smem:$0x3FB6] =	sst s0;
	s0 =	simm.s32 @!p1 $0x0  }
0x14: {  	s2 =	sld [smem:$0x3F9A];
	s0 =	simm.s32 @p1 $0x1  }
0x15: {  	[smem:$0x3FB7] =	sst s0;
	s0 =	simm.s32 @!p2 $0x0  }
0x16: {  	s3 =	sld [smem:$0x3FDB];
	s0 =	simm.s32 @p2 $0x1  }
0x17: {  	s4 =	simm.s32 $0x1BF5;
	[smem:$0x3FB9] =	sst s0  }
0x18: {  	s0 =	sld [smem:$0x3F9C];
	_ =	swait.ge [sflag:s4], $0x0  }
0x19: {  	s7 =	sld [smem:$0x3F9D]  }
0x1a: {  	s8 =	sadd.s32 $0xFFFFE003, lr  }
0x1b: {  	s9 =	sadd.s32 $0xFFFFFEF7, lr;
	s5 =	simm.s32 $0xFFFFFFFF;
	p2 =	slt.u32 s8, $0xFFFFF086  }
0x1c: {  	p1 =	slt.u32 s9, $0xF7A;
	s5 =	simm.s32 @!p2 $0x0  }
0x1d: {  	s5 =	simm.s32 @p1 $0x1;
	p0 =	seq.s32 s7, s2  }
0x1e: {  	s7 =	smul.u32 @!p0 $0xF7A, s2;
	p2 =	seq.s32 @!p0 s5, $0x0  }
0x1f: {  	s9 =	smul.u32 $0xF7A, s1;
	s8 =	simm.s32 @!p0 $0x1BF5;
	p2 =	por !p2, p0  }
0x20: {  	[sflag:s8] =	ssyncset.s32 @!p0 $0xFFFFF086;
	s6 =	sadd.s32 @!p0 s3, s7;
	s7 =	simm.s32 @!p0 $0x108  }
0x21: {  	s3 =	sadd.s32 s3, s9;
	s6 =	sadd.s32 @!p0 $0x88, s6;
	s7 =	simm.s32 @p2 $0x1082  }
0x22: {  	[simem:s7], [sflag:s8] =	dma.local @!p0 [hbm:s6], $0xF7A  }
0x23: {  	s9 =	sor.u32 $0xD0000000, s2;
	s6 =	simm.s32 $0x108;
	_ =	swait.ge @!p0 [sflag:s8], $0x0  }
0x24: {  	s3 =	sadd.s32 $0x88, s3;
	s6 =	simm.s32 @!p1 $0x1082;
	[sflag:s4] =	ssyncset.s32 $0xFFFFF086  }
0x25: {  	[simem:s6], [sflag:s4] =	dma.local [hbm:s3], $0xF7A  }
0x26: {  	[smem:$0x3F9D] =	sst s1;
	(tag) =	ssettag s2;
	_ =	strace s9  }
0x27: {  	s1 =	sld [smem:$0x3FAD]  }
0x28: {  	s2 =	sld [smem:$0x3FAE]  }
0x29: {  	s4 =	sld [smem:$0x3FB0]  }
0x2a: {  	p0 =	seq.s32 s5, $0x0;
	s5 =	sld [smem:$0x3FB1]  }
0x2b: {  	s6 =	sld [smem:$0x3FB2]  }
0x2c: {  	s7 =	sld [smem:$0x3FB3]  }
0x2d: {  	s3 =	simm.s32 $0x108;
	s8 =	sld [smem:$0x3FB4]  }
0x2e: {  	s3 =	simm.s32 @!p0 $0x1082;
	s9 =	sld [smem:$0x3FB5]  }
0x2f: {  	lr =	sadd.s32 s0, s3;
	s0 =	sld [smem:$0x3FAC]  }
0x30: {  	s3 =	sld [smem:$0x3FAF]  }
0x31: {  	[smem:$0x3FB8] =	sst s10  }
0x32: {  	s10 =	sld [smem:$0x3FB6];
	_ =	sdelay $0x3  }
0x33: {  	p0 =	seq.s32 s10, $0x1;
	s10 =	sld [smem:$0x3FB8];
	_ =	sdelay $0x3  }
0x34: {  	[smem:$0x3FB8] =	sst s10  }
0x35: {  	s10 =	sld [smem:$0x3FB7];
	_ =	sdelay $0x3  }
0x36: {  	p1 =	seq.s32 s10, $0x1;
	s10 =	sld [smem:$0x3FB8];
	_ =	sdelay $0x3  }
0x37: {  	[smem:$0x3FB8] =	sst s10  }
0x38: {  	s10 =	sld [smem:$0x3FB9]  }
0x39: {  	_ = 	snop;
	(pc) =	sbr.ind lr, $3  }
0x3a: {  	_ = 	snop  }
0x3b: {  	_ = 	snop  }
0x3c: {  	p2 =	seq.s32 s10, $0x1;
	s10 =	sld [smem:$0x3FB8]  }
0x3d: {  	_ =	shalt  }
0x3e: {  	_ =	shalt  }
0x3f: {  	_ =	shalt  }
0x40: {  	_ =	shalt  }
0x41: {  	_ =	shalt  }
0x42: {  	_ =	shalt  }
0x43: {  	_ =	shalt  }
0x44: {  	_ =	shalt  }
0x45: {  	_ =	shalt  }
0x46: {  	_ =	shalt  }
0x47: {  	_ =	shalt  }
0x48: {  	_ =	shalt  }
0x49: {  	_ =	shalt  }
0x4a: {  	_ =	shalt  }
0x4b: {  	_ =	shalt  }
0x4c: {  	_ =	shalt  }
0x4d: {  	_ =	shalt  }
0x4e: {  	_ =	shalt  }
0x4f: {  	_ =	shalt  }
0x50: {  	_ =	shalt  }
0x51: {  	_ =	shalt  }
0x52: {  	_ =	shalt  }
0x53: {  	_ =	shalt  }
0x54: {  	_ =	shalt  }
0x55: {  	_ =	shalt  }
0x56: {  	_ =	shalt  }
0x57: {  	_ =	shalt  }
0x58: {  	_ =	shalt  }
0x59: {  	_ =	shalt  }
0x5a: {  	_ =	shalt  }
0x5b: {  	_ =	shalt  }
0x5c: {  	_ =	shalt  }
0x5d: {  	_ =	shalt  }
0x5e: {  	_ =	shalt  }
0x5f: {  	_ =	shalt  }
0x60: {  	_ =	shalt  }
0x61: {  	_ =	shalt  }
0x62: {  	_ =	shalt  }
0x63: {  	_ =	shalt  }
0x64: {  	_ =	shalt  }
0x65: {  	_ =	shalt  }
0x66: {  	_ =	shalt  }
0x67: {  	_ =	shalt  }
0x68: {  	_ =	shalt  }
0x69: {  	_ =	shalt  }
0x6a: {  	_ =	shalt  }
0x6b: {  	_ =	shalt  }
0x6c: {  	_ =	shalt  }
0x6d: {  	_ =	shalt  }
0x6e: {  	_ =	shalt  }
0x6f: {  	_ =	shalt  }
0x70: {  	_ =	shalt  }
0x71: {  	_ =	shalt  }
0x72: {  	_ =	shalt  }
0x73: {  	_ =	shalt  }
0x74: {  	_ =	shalt  }
0x75: {  	_ =	shalt  }
0x76: {  	_ =	shalt  }
0x77: {  	_ =	shalt  }
0x78: {  	_ =	shalt  }
0x79: {  	_ =	shalt  }
0x7a: {  	_ =	shalt  }
0x7b: {  	_ =	shalt  }
0x7c: {  	_ =	shalt  }
0x7d: {  	_ =	shalt  }
0x7e: {  	_ =	shalt  }
0x7f: {  	_ =	shalt  }
0x80: {  	_ =	shalt  }
0x81: {  	_ =	shalt  }
0x82: {  	_ =	shalt  }
0x83: {  	_ =	shalt  }
0x84: {  	_ =	shalt  }
0x85: {  	_ =	shalt  }
0x86: {  	_ =	shalt  }
0x87: {  	_ =	shalt  }
.Lfunc_end0:
.L_simem_size_0:
called_computation_lowered:
.L_overlay_start_0:
0x88: {  	s2 =	sld [smem:$0x3FD9]  }
0x89: {  	s3 =	sld [smem:$0x3FFE];
	_ =	sdelay $0x1  }
0x8a: {  	s1 =	srdreg.scid  }
0x8b: {  	s0 =	sand.u32 $0x1, s1  }
0x8c: {  	s14 =	sshll.u32 s0, $0xA;
	s2 =	sadd.s32 s3, s2  }
0x8d: {  	s2 =	sadd.s32 s2, s14  }
0x8e: {  	[smem:$0x3FC4] =	sst s2  }
0x8f: {  	_ = 	snop  }
0x90: {  	s2 =	sld [smem:$0x3FD0];
	_ =	sdelay $0x2  }
0x91: {  	s15 =	simm.s32 $0xA;
	s4 =	simm.s32 $0x10  }
0x92: {  	[smem:s4], [sflag:s15] =	dma.local [hbm:s2], $0x1  }
0x93: {  	_ =	swait.eq [sflag:s15], $0x1  }
0x94: {  	[sflag:s15] =	ssyncset.done $0x0  }
0x95: {  	[sflag:s15] =	ssyncadd.s32 $0xFFFFFFFF  }
0x96: {  	s16 =	sld [smem:$0x10];
	(tm) =	ssettm $0x1  }
0x97: {  	s17 =	sld [smem:$0x3FFB];
	_ =	sdelay $0x3  }
0x98: {  	_ =	strace s17  }
0x99: {  	s3 =	sld [smem:$0x3FFC];
	_ =	sdelay $0x3  }
0x9a: {  	_ =	strace s3  }
0x9b: {  	s3 =	sld [smem:$0x3FFD];
	_ =	sdelay $0x3  }
0x9c: {  	_ =	strace s3  }
0x9d: {  	_ =	strace $0x8FFFFFFF  }
0x9e: {  	s18 =	sld [smem:$0x3FDB];
	_ =	sdelay $0x1  }
0x9f: {  	s19 =	simm.s32 $_scs_section_size  }
0xa0: {  	s5 =	simm.s32 $_size__tile_overlayer_lowered;
	s6 =	simm.s32 $_tile_overlayer_lowered  }
0xa1: {  	s22 =	simm.s32 $0x1BFF;
	s21 =	sshll.u32 s6, $0x1;
	s3 =	sadd.s32 s19, s18  }
0xa2: {  	s7 =	simm.s32 $0x0;
	s20 =	sshll.u32 s5, $0x1;
	s5 =	sadd.s32 s21, s3  }
0xa3: {  	[timem:s7], [sflag:s22] =	dma.local [hbm:s5], s20  }
0xa4: {  	_ =	swait.ge [sflag:s22], s20  }
0xa5: {  	s4 =	ssub.s32 $0x0, s20;
	[sflag:s22] =	ssyncset.done $0x0  }
0xa6: {  	[sflag:s22] =	ssyncadd.s32 s4;
	_ =	sdelay $0x1  }
0xa7: {  	s23 =	simm.s32 $0x1B8B  }
0xa8: {  	_ =	swait.ge [sflag:s23], $0x1  }
0xa9: {  	[sflag:s23] =	ssyncset.done $0x0  }
0xaa: {  	s25 =	simm.s32 $0x1B8E;
	s24 =	sld [smem:$0x3FFE];
	[sflag:s23] =	ssyncadd.s32 $0xFFFFFFFF  }
0xab: {  	s26 =	simm.s32 $execute0_lowered;
	[smem:$0x3FD2] =	sst s25  }
0xac: {  	s5 =	sshll.u32 s26, $0x1;
	_ =	strace $0x80000046;
	[dreg:$0x1] =	wrdreg $0xFFFFFFFF  }
0xad: {  	s28 =	simm.s32 $_size_execute0_lowered;
	s3 =	sadd.s32 s3, s5;
	[dreg:$0x0] =	wrdreg $0x0  }
0xae: {  	s5 =	sshll.u32 s28, $0x1;
	[dreg:$0x2] =	wrdreg s3  }
0xaf: {  	[dreg:$0x3] =	wrdreg s5  }
0xb0: {  	[dreg:$0x4] =	wrdreg $0xC0  }
0xb1: {  	_ =	task [dreg:s7], $0x5FFFF  }
0xb2: {  	[dreg:$0x1] =	wrdreg $0xFFFFFFFF  }
0xb3: {  	[dreg:$0x0] =	wrdreg $0x60  }
0xb4: {  	[dreg:$0x2] =	wrdreg s16  }
0xb5: {  	[dreg:$0x3] =	wrdreg s24  }
0xb6: {  	[dreg:$0x4] =	wrdreg $0x9  }
0xb7: {  	_ =	task.clear_ibuf [dreg:s7], $0x5FFFF;
	_ =	strace $0x90000046  }
0xb8: {  	s29 =	simm.s32 $0x9;
	_ =	strace $0x80000048  }
0xb9: {  	_ =	swait.ge [sflag:s29], $0x1  }
0xba: {  	[sflag:s29] =	ssyncadd.s32 $0xFFFFFFFF  }
0xbb: {  	_ =	strace $0x90000048  }
0xbc: {  	_ =	sfence  }
0xbd: {  	s30 =	sld [smem:$0x0];
	_ =	sdelay $0x2  }
0xbe: {  	s31 =	sshll.u32 s1, $0xD;
	s1 =	sshrl.u32 s1, $0x2  }
0xbf: {  	s3 =	sand.u32 $0x4000, s31;
	s1 =	sadd.s32 s1, s30  }
0xc0: {  	s0 =	sor.u32 s3, s0;
	s1 =	sshll.u32 s1, $0x11  }
0xc1: {  	s0 =	sor.u32 s1, s0  }
0xc2: {  	s0 =	sadd.s32 $0x8F2B, s0  }
0xc3: {  	[sflag:s0] =	ssyncadd.remote.s32 $0x1  }
0xc4: {  	_ =	sfence.sel $0xFFFF  }
0xc5: {  	[dreg:$0x0] =	wrdreg $0xFFFFFFFF;
	(pc) =	sbr.abs _section_cstart, $3  }
0xc6: {  	[dreg:$0x1] =	wrdreg $0xFFFFFFFF  }
0xc7: {  	_ =	task.clear_ibuf [dreg:s7], $0x2FFFF;
	_ =	strace $0x9FFFFFFF  }
0xc8: {  	(tm) =	ssettm $0x7FFFFFFF  }
0xc9: {  	_ =	shalt  }
tec
execute0_lowered:
.L_overlay_start_1:
0x0: {  	(tag) =	ssettag $0x1  }
0x1: {  	s4 =	rddreg [dreg:$0x0]  }
0x2: {  	s5 =	rddreg [dreg:$0x1]  }
0x3: {  	s0 =	rddreg [dreg:$0x2]  }
0x4: {  	s1 =	simm.s32 $0x0;
	s2 =	srdreg.scid;
	s12 =	simm.s32 $0x0  }
0x5: {  	[smem:$0x7FF] =	sst s1;
	s6 =	sand.u32 $0x1, s2;
	s3 =	sadd.s32 $0x10000, s5  }
0x6: {  	s2 =	stileid.u32;
	_ =	strace $0x80000047;
	s7 =	ssub.s32 $0x2, s6  }
0x7: {  	s9 =	sshll.u32 s2, $0xC;
	s10 =	sshll.u32 s6, $0xB;
	s11 =	smul.u32 $0x4E20, s2  }
0x8: {  	s31 =	smul.u32 $0x2710, s6;
	s8 =	sshrl.u32 s7, $0x1;
	s30 =	sor.u32 s10, s9  }
0x9: {  	s9 =	simm.s32 $0x4000;
	s10 =	simm.s32 $0x50;
	s7 =	ssub.s32 s7, s8  }
0xa: {  	s4 =	sadd.s32 s4, s30;
	s5 =	sadd.s32 s5, s30;
	s8 =	simm.s32 $0x2  }
0xb: {  	v0 =	vlaneseq.u32;
	s6 =	smax.u32 s7, $0x1;
	s7 =	sadd.s32 s31, s11;
	s11 =	simm.s32 $0x1  }
.LBB2_1:
0xc: {  	[tilespmem:s1], [sflag:$0x2] =	stream.linear.gather [hbm4b:s4+s1], $0x3E80, $0x38;
	[tilespmem:$0x10000] =	vst v63  }
0xd: {  	_ =	swait.ge [sflag:s8], $0x3E80  }
0xe: {  	[sflag:s8] =	ssyncset.done $0x0  }
0xf: {  	[sflag:s8] =	ssyncadd.s32 $0xFFFFC180  }
0x10: {  	[tilespmem:s9], [sflag:$0x2] =	stream.linear.gather [hbm4b:s5+s1], $0x3E80, $0x38;
	[tilespmem:$0x10000] =	vst v63  }
0x11: {  	_ =	swait.ge [sflag:s8], $0x3E80  }
0x12: {  	[sflag:s8] =	ssyncset.done $0x0  }
0x13: {  	s13 =	simm.s32 $0x20;
	[sflag:s8] =	ssyncadd.s32 $0xFFFFC180  }
0x14: {  	v1 =	vld [tilespmem:s13+$0xFFFFFFE0]  }
0x15: {  	s14 =	simm.s32 $0x4020  }
0x16: {  	v2 =	vld [tilespmem:s14+$0xFFFFFFE0];
	_ =	sdelay $0x2  }
0x17: {  	v1 =	vmul.u32 $0x2710, v1;
	_ =	sdelay $0x1  }
0x18: {  	s15 =	simm.s32 $0x8020;
	s17 =	sadd.s32 $0x0, s7;
	v1 =	vadd.s32 v2, v1  }
0x19: {  	s16 =	simm.s32 $0xC020;
	[tilespmem:s15+$0xFFFFFFE0] =	vst v1;
	v1 =	vor.u32 s17, v0  }
0x1a: {  	[tilespmem:s16+$0xFFFFFFE0] =	vst v1  }
0x1b: {  	v1 =	vld [tilespmem:s13+$0xFFFFFFF0];
	_ =	sdelay $0x1  }
0x1c: {  	v2 =	vld [tilespmem:s14+$0xFFFFFFF0];
	_ =	sdelay $0x2  }
0x1d: {  	v1 =	vmul.u32 $0x2710, v1;
	_ =	sdelay $0x1  }
0x1e: {  	s18 =	sadd.s32 $0x10, s17;
	v1 =	vadd.s32 v2, v1  }
0x1f: {  	[tilespmem:s15+$0xFFFFFFF0] =	vst v1;
	v1 =	vor.u32 s18, v0  }
0x20: {  	[tilespmem:s16+$0xFFFFFFF0] =	vst v1  }
0x21: {  	v1 =	vld [tilespmem:s13+$0x0];
	_ =	sdelay $0x1  }
0x22: {  	v2 =	vld [tilespmem:s14+$0x0];
	_ =	sdelay $0x2  }
0x23: {  	v1 =	vmul.u32 $0x2710, v1;
	_ =	sdelay $0x1  }
0x24: {  	s29 =	sadd.s32 $0x20, s17;
	v1 =	vadd.s32 v2, v1  }
0x25: {  	[tilespmem:s15+$0x0] =	vst v1;
	v1 =	vor.u32 s29, v0  }
0x26: {  	[tilespmem:s16+$0x0] =	vst v1  }
0x27: {  	v1 =	vld [tilespmem:s13+$0x10];
	_ =	sdelay $0x1  }
0x28: {  	v2 =	vld [tilespmem:s14+$0x10];
	_ =	sdelay $0x2  }
0x29: {  	v1 =	vmul.u32 $0x2710, v1;
	_ =	sdelay $0x1  }
0x2a: {  	s30 =	sadd.s32 $0x30, s17;
	v1 =	vadd.s32 v2, v1  }
0x2b: {  	[tilespmem:s15+$0x10] =	vst v1;
	v1 =	vor.u32 s30, v0  }
0x2c: {  	[tilespmem:s16+$0x10] =	vst v1  }
0x2d: {  	v1 =	vld [tilespmem:s13+$0x20];
	_ =	sdelay $0x1  }
0x2e: {  	v2 =	vld [tilespmem:s14+$0x20];
	_ =	sdelay $0x2  }
0x2f: {  	v1 =	vmul.u32 $0x2710, v1;
	_ =	sdelay $0x1  }
0x30: {  	s31 =	sadd.s32 $0x40, s17;
	v1 =	vadd.s32 v2, v1  }
0x31: {  	s17 =	simm.s32 $0x50;
	s18 =	simm.s32 $0xC0A0;
	[tilespmem:s15+$0x20] =	vst v1;
	v1 =	vor.u32 s31, v0  }
.LBB2_2:
0x32: {  	[tilespmem:s16+$0x20] =	vst v1;
	s13 =	sadd.s32 $0x80, s13;
	s14 =	sadd.s32 $0x80, s14;
	s15 =	sadd.s32 $0x80, s15  }
0x33: {  	p0 =	sne.s32 s17, $0x26C0;
	s19 =	smov.u32 s17;
	s17 =	sadd.s32 $0x50, s17;
	v1 =	vld [tilespmem:s13+$0xFFFFFFE0]  }
0x34: {  	s16 =	smov.u32 s18  }
0x35: {  	v2 =	vld [tilespmem:s14+$0xFFFFFFE0];
	_ =	sdelay $0x2  }
0x36: {  	v1 =	vmul.u32 $0x2710, v1;
	_ =	sdelay $0x1  }
0x37: {  	s19 =	sadd.s32 s19, s7;
	v1 =	vadd.s32 v2, v1  }
0x38: {  	s20 =	sadd.s32 $0x10, s19;
	s21 =	sadd.s32 $0x20, s19;
	s22 =	sadd.s32 $0x30, s19;
	[tilespmem:s15+$0xFFFFFFE0] =	vst v1;
	v1 =	vor.u32 s19, v0  }
0x39: {  	s19 =	sadd.s32 $0x40, s19;
	[tilespmem:s18+$0xFFFFFFE0] =	vst v1  }
0x3a: {  	v1 =	vld [tilespmem:s13+$0xFFFFFFF0];
	_ =	sdelay $0x1  }
0x3b: {  	v2 =	vld [tilespmem:s14+$0xFFFFFFF0];
	_ =	sdelay $0x2  }
0x3c: {  	v1 =	vmul.u32 $0x2710, v1;
	_ =	sdelay $0x1  }
0x3d: {  	v1 =	vadd.s32 v2, v1  }
0x3e: {  	[tilespmem:s15+$0xFFFFFFF0] =	vst v1;
	v1 =	vor.u32 s20, v0  }
0x3f: {  	[tilespmem:s18+$0xFFFFFFF0] =	vst v1  }
0x40: {  	v1 =	vld [tilespmem:s13+$0x0];
	_ =	sdelay $0x1  }
0x41: {  	v2 =	vld [tilespmem:s14+$0x0];
	_ =	sdelay $0x2  }
0x42: {  	v1 =	vmul.u32 $0x2710, v1;
	_ =	sdelay $0x1  }
0x43: {  	v1 =	vadd.s32 v2, v1  }
0x44: {  	[tilespmem:s15+$0x0] =	vst v1;
	v1 =	vor.u32 s21, v0  }
0x45: {  	[tilespmem:s18+$0x0] =	vst v1  }
0x46: {  	v1 =	vld [tilespmem:s13+$0x10]  }
0x47: {  	v2 =	vld [tilespmem:s14+$0x10];
	_ =	sdelay $0x3  }
0x48: {  	v1 =	vmul.u32 $0x2710, v1;
	_ =	sdelay $0x1  }
0x49: {  	v1 =	vadd.s32 v2, v1  }
0x4a: {  	[tilespmem:s15+$0x10] =	vst v1;
	v1 =	vor.u32 s22, v0  }
0x4b: {  	[tilespmem:s18+$0x10] =	vst v1  }
0x4c: {  	v1 =	vld [tilespmem:s13+$0x20]  }
0x4d: {  	v2 =	vld [tilespmem:s14+$0x20];
	_ =	sdelay $0x2  }
.Ltmp0:
0x4e: {  	(pc) =	sbr.rel @p0 .LBB2_2-.Ltmp0, $3  }
0x4f: {  	v1 =	vmul.u32 $0x2710, v1;
	_ =	sdelay $0x1  }
0x50: {  	v1 =	vadd.s32 v2, v1  }
0x51: {  	s18 =	sadd.s32 $0x80, s18;
	[tilespmem:s15+$0x20] =	vst v1;
	v1 =	vor.u32 s19, v0  }
0x52: {  	[tilespmem:s16+$0x20] =	vst v1;
	s13 =	simm.s32 $0x0  }
.LBB2_4:
0x53: {  	p0 =	sne.s32 s13, $0xF800  }
.Ltmp1:
0x54: {  	_ = 	snop;
	(pc) =	sbr.rel @p0 .LBB2_4-.Ltmp1, $4  }
0x55: {  	_ = 	snop  }
0x56: {  	s14 =	sshra.s32 s13, $0x2  }
0x57: {  	s13 =	sadd.s32 $0x200, s13;
	s15 =	sadd.s32 $0xC000, s14;
	s14 =	sadd.s32 $0x8000, s14  }
0x58: {  	[hbm4b:s3+s10] =	stream.indirect.scatter [tilespmem:s15], [sflag:$0x1], $0x1, s14, s10, $0xb8;
	[tilespmem:$0x10000] =	vst v63  }
0x59: {  	_ =	swait.ge [sflag:s11], $0x50  }
0x5a: {  	s13 =	simm.s32 $0x7C;
	[sflag:s11] =	ssyncset.done $0x0  }
.LBB2_6:
0x5b: {  	p0 =	sne.s32 s13, $0x1;
	s13 =	sadd.s32 $0xFFFFFFFF, s13;
	[sflag:s11] =	ssyncadd.s32 $0xFFFFFFB0  }
.Ltmp2:
0x5c: {  	(pc) =	sbr.rel @p0 .LBB2_6-.Ltmp2, $3  }
0x5d: {  	_ =	sdelay $0x1  }
0x5e: {  	_ =	swait.ge [sflag:s11], $0x50  }
0x5f: {  	[sflag:s11] =	ssyncset.done $0x0  }
0x60: {  	s12 =	sadd.s32 $0x1, s12  }
0x61: {  	p0 =	sne.s32 s12, s6  }
.Ltmp3:
0x62: {  	_ = 	snop;
	(pc) =	sbr.rel @p0 .LBB2_1-.Ltmp3, $2  }
0x63: {  	_ =	sdelay $0x2  }
0x64: {  	[sflag:s11] =	ssyncadd.s32 $0xFFFFFFB0  }
0x65: {  	_ =	sfence.sel $0x180000  }
0x66: {  	[bflag:$0x0] =	sbarrier.arrive $0xFFFF  }
0x67: {  	p0 =	sne.s32 s2, $0x0;
	_ =	strace $0x90000047  }
0x68: {  	s0 =	sadd.s32 @!p0 $0x100000, s0;
	[bflag:$0x2] =	sbarrier.arrive $0xFFFF  }
0x69: {  	[sflag:s0] =	ssyncadd.tile.s32 @!p0 $0x1;
	_ =	shalt  }
.Lfunc_end2:
_tile_overlayer_lowered:
.L_overlay_start_2:
0x6a: {  	(tag) =	ssettag $0x2  }
0x6b: {  	s0 =	rddreg [dreg:$0x0];
	s2 =	stileid.u32  }
0x6c: {  	s1 =	rddreg [dreg:$0x1];
	p0 =	sne.s32 s2, $0x0  }
0x6d: {  	s3 =	rddreg [dreg:$0x2];
	[bflag:$0x3] =	sbarrier.arrive $0xFFFF;
	s2 =	simm.s32 @!p0 $0x1C02  }
0x6e: {  	[timem:s3], [sflag:s2] =	dma.local @!p0 [hbm:s0], s1  }
0x6f: {  	s0 =	simm.s32 @!p0 $0x2  }
0x70: {  	_ =	swait.ge @!p0 [sflag:s0], s1  }
0x71: {  	s1 =	ssub.s32 @!p0 $0x0, s1;
	[sflag:s0] =	ssyncset.done @!p0 $0x0  }
0x72: {  	[sflag:s0] =	ssyncadd.s32 @!p0 s1  }
0x73: {  	[bflag:$0x3] =	sbarrier.arrive $0xFFFF  }
0x74: {  	_ =	shalt  }

// kernel: p2_degree.3.cloned.1.call-start
scs
__scs_entry_jumppad:
0x0: {  	(pc) =	sbr.rel $0x88, $3  }
0x1: {  	(tag) =	ssettag $0x0;
	lr =	simm.s32 $0x1  }
0x2: {  	[smem:$0x3F9D] =	sst lr;
	_ =	strace $0xD0000000  }
0x3: {  	_ = 	snop  }
0x4: {  	_ = 	snop  }
0x5: {  	_ = 	snop  }
0x6: {  	_ = 	snop  }
0x7: {  	_ = 	snop  }
__scs_overlays_trampoline_lowered:
0x8: {  	[smem:$0x3FAC] =	sst s0  }
0x9: {  	[smem:$0x3FAD] =	sst s1  }
0xa: {  	[smem:$0x3FAE] =	sst s2  }
0xb: {  	[smem:$0x3FAF] =	sst s3  }
0xc: {  	[smem:$0x3FB0] =	sst s4  }
0xd: {  	[smem:$0x3FB1] =	sst s5  }
0xe: {  	[smem:$0x3FB2] =	sst s6  }
0xf: {  	[smem:$0x3FB3] =	sst s7  }
0x10: {  	[smem:$0x3FB4] =	sst s8  }
0x11: {  	[smem:$0x3FB5] =	sst s9;
	s0 =	simm.s32 @!p0 $0x0  }
0x12: {  	s1 =	sld [smem:$0x3F9B];
	s0 =	simm.s32 @p0 $0x1  }
0x13: {  	[smem:$0x3FB6] =	sst s0;
	s0 =	simm.s32 @!p1 $0x0  }
0x14: {  	s2 =	sld [smem:$0x3F9A];
	s0 =	simm.s32 @p1 $0x1  }
0x15: {  	[smem:$0x3FB7] =	sst s0;
	s0 =	simm.s32 @!p2 $0x0  }
0x16: {  	s3 =	sld [smem:$0x3FDB];
	s0 =	simm.s32 @p2 $0x1  }
0x17: {  	s4 =	simm.s32 $0x1BF5;
	[smem:$0x3FB9] =	sst s0  }
0x18: {  	s0 =	sld [smem:$0x3F9C];
	_ =	swait.ge [sflag:s4], $0x0  }
0x19: {  	s7 =	sld [smem:$0x3F9D]  }
0x1a: {  	s8 =	sadd.s32 $0xFFFFE003, lr  }
0x1b: {  	s9 =	sadd.s32 $0xFFFFFEF7, lr;
	s5 =	simm.s32 $0xFFFFFFFF;
	p2 =	slt.u32 s8, $0xFFFFF086  }
0x1c: {  	p1 =	slt.u32 s9, $0xF7A;
	s5 =	simm.s32 @!p2 $0x0  }
0x1d: {  	s5 =	simm.s32 @p1 $0x1;
	p0 =	seq.s32 s7, s2  }
0x1e: {  	s7 =	smul.u32 @!p0 $0xF7A, s2;
	p2 =	seq.s32 @!p0 s5, $0x0  }
0x1f: {  	s9 =	smul.u32 $0xF7A, s1;
	s8 =	simm.s32 @!p0 $0x1BF5;
	p2 =	por !p2, p0  }
0x20: {  	[sflag:s8] =	ssyncset.s32 @!p0 $0xFFFFF086;
	s6 =	sadd.s32 @!p0 s3, s7;
	s7 =	simm.s32 @!p0 $0x108  }
0x21: {  	s3 =	sadd.s32 s3, s9;
	s6 =	sadd.s32 @!p0 $0x88, s6;
	s7 =	simm.s32 @p2 $0x1082  }
0x22: {  	[simem:s7], [sflag:s8] =	dma.local @!p0 [hbm:s6], $0xF7A  }
0x23: {  	s9 =	sor.u32 $0xD0000000, s2;
	s6 =	simm.s32 $0x108;
	_ =	swait.ge @!p0 [sflag:s8], $0x0  }
0x24: {  	s3 =	sadd.s32 $0x88, s3;
	s6 =	simm.s32 @!p1 $0x1082;
	[sflag:s4] =	ssyncset.s32 $0xFFFFF086  }
0x25: {  	[simem:s6], [sflag:s4] =	dma.local [hbm:s3], $0xF7A  }
0x26: {  	[smem:$0x3F9D] =	sst s1;
	(tag) =	ssettag s2;
	_ =	strace s9  }
0x27: {  	s1 =	sld [smem:$0x3FAD]  }
0x28: {  	s2 =	sld [smem:$0x3FAE]  }
0x29: {  	s4 =	sld [smem:$0x3FB0]  }
0x2a: {  	p0 =	seq.s32 s5, $0x0;
	s5 =	sld [smem:$0x3FB1]  }
0x2b: {  	s6 =	sld [smem:$0x3FB2]  }
0x2c: {  	s7 =	sld [smem:$0x3FB3]  }
0x2d: {  	s3 =	simm.s32 $0x108;
	s8 =	sld [smem:$0x3FB4]  }
0x2e: {  	s3 =	simm.s32 @!p0 $0x1082;
	s9 =	sld [smem:$0x3FB5]  }
0x2f: {  	lr =	sadd.s32 s0, s3;
	s0 =	sld [smem:$0x3FAC]  }
0x30: {  	s3 =	sld [smem:$0x3FAF]  }
0x31: {  	[smem:$0x3FB8] =	sst s10  }
0x32: {  	s10 =	sld [smem:$0x3FB6];
	_ =	sdelay $0x3  }
0x33: {  	p0 =	seq.s32 s10, $0x1;
	s10 =	sld [smem:$0x3FB8];
	_ =	sdelay $0x3  }
0x34: {  	[smem:$0x3FB8] =	sst s10  }
0x35: {  	s10 =	sld [smem:$0x3FB7];
	_ =	sdelay $0x3  }
0x36: {  	p1 =	seq.s32 s10, $0x1;
	s10 =	sld [smem:$0x3FB8];
	_ =	sdelay $0x3  }
0x37: {  	[smem:$0x3FB8] =	sst s10  }
0x38: {  	s10 =	sld [smem:$0x3FB9]  }
0x39: {  	_ = 	snop;
	(pc) =	sbr.ind lr, $3  }
0x3a: {  	_ = 	snop  }
0x3b: {  	_ = 	snop  }
0x3c: {  	p2 =	seq.s32 s10, $0x1;
	s10 =	sld [smem:$0x3FB8]  }
0x3d: {  	_ =	shalt  }
0x3e: {  	_ =	shalt  }
0x3f: {  	_ =	shalt  }
0x40: {  	_ =	shalt  }
0x41: {  	_ =	shalt  }
0x42: {  	_ =	shalt  }
0x43: {  	_ =	shalt  }
0x44: {  	_ =	shalt  }
0x45: {  	_ =	shalt  }
0x46: {  	_ =	shalt  }
0x47: {  	_ =	shalt  }
0x48: {  	_ =	shalt  }
0x49: {  	_ =	shalt  }
0x4a: {  	_ =	shalt  }
0x4b: {  	_ =	shalt  }
0x4c: {  	_ =	shalt  }
0x4d: {  	_ =	shalt  }
0x4e: {  	_ =	shalt  }
0x4f: {  	_ =	shalt  }
0x50: {  	_ =	shalt  }
0x51: {  	_ =	shalt  }
0x52: {  	_ =	shalt  }
0x53: {  	_ =	shalt  }
0x54: {  	_ =	shalt  }
0x55: {  	_ =	shalt  }
0x56: {  	_ =	shalt  }
0x57: {  	_ =	shalt  }
0x58: {  	_ =	shalt  }
0x59: {  	_ =	shalt  }
0x5a: {  	_ =	shalt  }
0x5b: {  	_ =	shalt  }
0x5c: {  	_ =	shalt  }
0x5d: {  	_ =	shalt  }
0x5e: {  	_ =	shalt  }
0x5f: {  	_ =	shalt  }
0x60: {  	_ =	shalt  }
0x61: {  	_ =	shalt  }
0x62: {  	_ =	shalt  }
0x63: {  	_ =	shalt  }
0x64: {  	_ =	shalt  }
0x65: {  	_ =	shalt  }
0x66: {  	_ =	shalt  }
0x67: {  	_ =	shalt  }
0x68: {  	_ =	shalt  }
0x69: {  	_ =	shalt  }
0x6a: {  	_ =	shalt  }
0x6b: {  	_ =	shalt  }
0x6c: {  	_ =	shalt  }
0x6d: {  	_ =	shalt  }
0x6e: {  	_ =	shalt  }
0x6f: {  	_ =	shalt  }
0x70: {  	_ =	shalt  }
0x71: {  	_ =	shalt  }
0x72: {  	_ =	shalt  }
0x73: {  	_ =	shalt  }
0x74: {  	_ =	shalt  }
0x75: {  	_ =	shalt  }
0x76: {  	_ =	shalt  }
0x77: {  	_ =	shalt  }
0x78: {  	_ =	shalt  }
0x79: {  	_ =	shalt  }
0x7a: {  	_ =	shalt  }
0x7b: {  	_ =	shalt  }
0x7c: {  	_ =	shalt  }
0x7d: {  	_ =	shalt  }
0x7e: {  	_ =	shalt  }
0x7f: {  	_ =	shalt  }
0x80: {  	_ =	shalt  }
0x81: {  	_ =	shalt  }
0x82: {  	_ =	shalt  }
0x83: {  	_ =	shalt  }
0x84: {  	_ =	shalt  }
0x85: {  	_ =	shalt  }
0x86: {  	_ =	shalt  }
0x87: {  	_ =	shalt  }
.Lfunc_end0:
.L_simem_size_0:
called_computation.1_lowered:
.L_overlay_start_0:
0x88: {  	s2 =	sld [smem:$0x3FD9]  }
0x89: {  	s3 =	sld [smem:$0x3FFE];
	_ =	sdelay $0x1  }
0x8a: {  	s1 =	srdreg.scid  }
0x8b: {  	s0 =	sand.u32 $0x1, s1  }
0x8c: {  	s14 =	sshll.u32 s0, $0xA;
	s2 =	sadd.s32 s3, s2  }
0x8d: {  	s2 =	sadd.s32 s2, s14  }
0x8e: {  	[smem:$0x3FC4] =	sst s2  }
0x8f: {  	_ = 	snop  }
0x90: {  	s2 =	sld [smem:$0x3FD0];
	_ =	sdelay $0x2  }
0x91: {  	s15 =	simm.s32 $0xA;
	s4 =	simm.s32 $0x10  }
0x92: {  	[smem:s4], [sflag:s15] =	dma.local [hbm:s2], $0x1  }
0x93: {  	_ =	swait.eq [sflag:s15], $0x1  }
0x94: {  	[sflag:s15] =	ssyncset.done $0x0  }
0x95: {  	[sflag:s15] =	ssyncadd.s32 $0xFFFFFFFF  }
0x96: {  	s16 =	sld [smem:$0x10];
	(tm) =	ssettm $0x1  }
0x97: {  	s17 =	sld [smem:$0x3FFB];
	_ =	sdelay $0x3  }
0x98: {  	_ =	strace s17  }
0x99: {  	s3 =	sld [smem:$0x3FFC];
	_ =	sdelay $0x3  }
0x9a: {  	_ =	strace s3  }
0x9b: {  	s3 =	sld [smem:$0x3FFD];
	_ =	sdelay $0x3  }
0x9c: {  	_ =	strace s3  }
0x9d: {  	_ =	strace $0x8FFFFFFF  }
0x9e: {  	s18 =	sld [smem:$0x3FDB];
	_ =	sdelay $0x1  }
0x9f: {  	s19 =	simm.s32 $_scs_section_size  }
0xa0: {  	s5 =	simm.s32 $_size__tile_overlayer_lowered;
	s6 =	simm.s32 $_tile_overlayer_lowered  }
0xa1: {  	s22 =	simm.s32 $0x1BFF;
	s21 =	sshll.u32 s6, $0x1;
	s3 =	sadd.s32 s19, s18  }
0xa2: {  	s7 =	simm.s32 $0x0;
	s20 =	sshll.u32 s5, $0x1;
	s5 =	sadd.s32 s21, s3  }
0xa3: {  	[timem:s7], [sflag:s22] =	dma.local [hbm:s5], s20  }
0xa4: {  	_ =	swait.ge [sflag:s22], s20  }
0xa5: {  	s4 =	ssub.s32 $0x0, s20;
	[sflag:s22] =	ssyncset.done $0x0  }
0xa6: {  	[sflag:s22] =	ssyncadd.s32 s4;
	_ =	sdelay $0x1  }
0xa7: {  	s23 =	simm.s32 $0x1B8B  }
0xa8: {  	_ =	swait.ge [sflag:s23], $0x1  }
0xa9: {  	[sflag:s23] =	ssyncset.done $0x0  }
0xaa: {  	s25 =	simm.s32 $0x1B8E;
	s24 =	sld [smem:$0x3FFE];
	[sflag:s23] =	ssyncadd.s32 $0xFFFFFFFF  }
0xab: {  	s26 =	simm.s32 $execute0_lowered;
	[smem:$0x3FD2] =	sst s25  }
0xac: {  	s5 =	sshll.u32 s26, $0x1;
	_ =	strace $0x80000049;
	[dreg:$0x1] =	wrdreg $0xFFFFFFFF  }
0xad: {  	s28 =	simm.s32 $_size_execute0_lowered;
	s3 =	sadd.s32 s3, s5;
	[dreg:$0x0] =	wrdreg $0x0  }
0xae: {  	s5 =	sshll.u32 s28, $0x1;
	[dreg:$0x2] =	wrdreg s3  }
0xaf: {  	[dreg:$0x3] =	wrdreg s5  }
0xb0: {  	[dreg:$0x4] =	wrdreg $0xC0  }
0xb1: {  	_ =	task [dreg:s7], $0x5FFFF  }
0xb2: {  	[dreg:$0x1] =	wrdreg $0xFFFFFFFF  }
0xb3: {  	[dreg:$0x0] =	wrdreg $0x60  }
0xb4: {  	[dreg:$0x2] =	wrdreg s16  }
0xb5: {  	[dreg:$0x3] =	wrdreg s24  }
0xb6: {  	[dreg:$0x4] =	wrdreg $0x1A7800  }
0xb7: {  	[dreg:$0x5] =	wrdreg $0x1A9F80  }
0xb8: {  	[dreg:$0x6] =	wrdreg $0x9  }
0xb9: {  	_ =	task.clear_ibuf [dreg:s7], $0x7FFFF;
	_ =	strace $0x90000049  }
0xba: {  	s29 =	simm.s32 $0x9;
	_ =	strace $0x8000004B  }
0xbb: {  	_ =	swait.ge [sflag:s29], $0x1  }
0xbc: {  	[sflag:s29] =	ssyncadd.s32 $0xFFFFFFFF  }
0xbd: {  	_ =	strace $0x9000004B  }
0xbe: {  	_ =	sfence  }
0xbf: {  	s30 =	sld [smem:$0x0];
	_ =	sdelay $0x2  }
0xc0: {  	s31 =	sshll.u32 s1, $0xD;
	s1 =	sshrl.u32 s1, $0x2  }
0xc1: {  	s3 =	sand.u32 $0x4000, s31;
	s1 =	sadd.s32 s1, s30  }
0xc2: {  	s0 =	sor.u32 s3, s0;
	s1 =	sshll.u32 s1, $0x11  }
0xc3: {  	s0 =	sor.u32 s1, s0  }
0xc4: {  	s0 =	sadd.s32 $0x8F2B, s0  }
0xc5: {  	[sflag:s0] =	ssyncadd.remote.s32 $0x1  }
0xc6: {  	_ =	sfence.sel $0xFFFF  }
0xc7: {  	[dreg:$0x0] =	wrdreg $0xFFFFFFFF;
	(pc) =	sbr.abs _section_cstart, $3  }
0xc8: {  	[dreg:$0x1] =	wrdreg $0xFFFFFFFF  }
0xc9: {  	_ =	task.clear_ibuf [dreg:s7], $0x2FFFF;
	_ =	strace $0x9FFFFFFF  }
0xca: {  	(tm) =	ssettm $0x7FFFFFFF  }
0xcb: {  	_ =	shalt  }
tec
execute0_lowered:
.L_overlay_start_1:
0x0: {  	(tag) =	ssettag $0x1  }
0x1: {  	s5 =	rddreg [dreg:$0x0]  }
0x2: {  	s6 =	rddreg [dreg:$0x1]  }
0x3: {  	s1 =	rddreg [dreg:$0x2]  }
0x4: {  	s2 =	rddreg [dreg:$0x3]  }
0x5: {  	s4 =	srdreg.scid;
	s0 =	rddreg [dreg:$0x4];
	s3 =	simm.s32 $0x0  }
0x6: {  	s11 =	stileid.u32;
	s15 =	simm.s32 $0x1;
	s7 =	sand.u32 $0x1, s4  }
0x7: {  	[smem:$0x7FF] =	sst s3;
	s4 =	sadd.s32 $0x10000, s6;
	s12 =	sshll.u32 s11, $0xC  }
0x8: {  	s14 =	smul.u32 $0x4E20, s11;
	p0 =	sne.s32 s11, $0x0;
	s11 =	simm.s32 $0x18000  }
0x9: {  	s8 =	smul.u32 $0x4F0, s7;
	_ =	strace $0x8000004A;
	s9 =	ssub.s32 $0x2, s7  }
0xa: {  	s13 =	sshll.u32 s7, $0xB;
	s31 =	smul.u32 $0x2710, s7;
	s10 =	sshrl.u32 s9, $0x1  }
0xb: {  	s30 =	sor.u32 s13, s12;
	s12 =	simm.s32 $0x2;
	s13 =	simm.s32 $0x4000  }
0xc: {  	s8 =	sadd.s32 s8, s6;
	s9 =	ssub.s32 s9, s10;
	s5 =	sadd.s32 s5, s30  }
0xd: {  	s6 =	sadd.s32 s6, s30;
	s10 =	sadd.s32 s31, s14;
	s14 =	simm.s32 $0x50  }
0xe: {  	v0 =	vimm.s32 $0x0;
	v1 =	vlaneseq.u32;
	s7 =	sadd.s32 $0xBFBE00, s8;
	s8 =	sadd.s32 $0xBFC800, s8;
	s9 =	smax.u32 s9, $0x1  }
.LBB2_1:
.Ltmp0:
0xf: {  	(pc) =	sbr.rel @p0 .LBB2_5-.Ltmp0, $1  }
0x10: {  	_ =	sdelay $0x3  }
0x11: {  	s16 =	simm.s32 $0x40;
	s17 =	simm.s32 $0x0  }
.LBB2_3:
0x12: {  	p1 =	sne.s32 s16, $0x9C00;
	[tilespmem:s17+$0x18000] =	vst v0;
	s17 =	smov.u32 s16;
	s16 =	sadd.s32 $0x40, s16  }
.Ltmp1:
0x13: {  	(pc) =	sbr.rel @p1 .LBB2_3-.Ltmp1, $2  }
0x14: {  	_ =	sdelay $0x2  }
0x15: {  	s17 =	sshra.s32 s17, $0x2  }
0x16: {  	[tilespmem:s17+$0x18000] =	vst v0  }
0x17: {  	[spmem:s1] =	stream.linear.scatter [tilespmem:s11], [sflag:$0x2], $0x2780, $0x38;
	[tilespmem:$0x1AC70] =	vst v63  }
0x18: {  	_ =	swait.ge [sflag:s12], $0x2780  }
0x19: {  	[sflag:s12] =	ssyncset.done $0x0  }
0x1a: {  	[sflag:s12] =	ssyncadd.s32 $0xFFFFD880  }
0x1b: {  	[spmem:s2] =	stream.linear.scatter [tilespmem:s11], [sflag:$0x2], $0x2780, $0x38;
	[tilespmem:$0x1AC70] =	vst v63  }
0x1c: {  	_ =	swait.ge [sflag:s12], $0x2780  }
0x1d: {  	[sflag:s12] =	ssyncset.done $0x0  }
0x1e: {  	[sflag:s12] =	ssyncadd.s32 $0xFFFFD880  }
.LBB2_5:
0x1f: {  	s16 =	simm.s32 $0x0  }
0x20: {  	[tilespmem:s16], [sflag:$0x2] =	stream.linear.gather [hbm4b:s5+s16], $0x3E80, $0x38;
	[tilespmem:$0x1AC70] =	vst v63  }
0x21: {  	_ =	swait.ge [sflag:s12], $0x3E80  }
0x22: {  	[sflag:s12] =	ssyncset.done $0x0  }
0x23: {  	[sflag:s12] =	ssyncadd.s32 $0xFFFFC180  }
0x24: {  	[tilespmem:s13], [sflag:$0x2] =	stream.linear.gather [hbm4b:s6+s16], $0x3E80, $0x38;
	[tilespmem:$0x1AC70] =	vst v63  }
0x25: {  	_ =	swait.ge [sflag:s12], $0x3E80  }
0x26: {  	[sflag:s12] =	ssyncset.done $0x0  }
0x27: {  	s17 =	simm.s32 $0x20;
	[sflag:s12] =	ssyncadd.s32 $0xFFFFC180  }
0x28: {  	v2 =	vld [tilespmem:s17+$0xFFFFFFE0]  }
0x29: {  	s18 =	simm.s32 $0x4020  }
0x2a: {  	v3 =	vld [tilespmem:s18+$0xFFFFFFE0];
	_ =	sdelay $0x2  }
0x2b: {  	v2 =	vmul.u32 $0x2710, v2;
	_ =	sdelay $0x1  }
0x2c: {  	s19 =	simm.s32 $0x8020;
	s21 =	sadd.s32 $0x0, s10;
	v2 =	vadd.s32 v3, v2  }
0x2d: {  	s20 =	simm.s32 $0xC020;
	[tilespmem:s19+$0xFFFFFFE0] =	vst v2;
	v2 =	vor.u32 s21, v1  }
0x2e: {  	[tilespmem:s20+$0xFFFFFFE0] =	vst v2  }
0x2f: {  	v2 =	vld [tilespmem:s17+$0xFFFFFFF0];
	_ =	sdelay $0x1  }
0x30: {  	v3 =	vld [tilespmem:s18+$0xFFFFFFF0];
	_ =	sdelay $0x2  }
0x31: {  	v2 =	vmul.u32 $0x2710, v2;
	_ =	sdelay $0x1  }
0x32: {  	s22 =	sadd.s32 $0x10, s21;
	v2 =	vadd.s32 v3, v2  }
0x33: {  	[tilespmem:s19+$0xFFFFFFF0] =	vst v2;
	v2 =	vor.u32 s22, v1  }
0x34: {  	[tilespmem:s20+$0xFFFFFFF0] =	vst v2  }
0x35: {  	v2 =	vld [tilespmem:s17+$0x0];
	_ =	sdelay $0x1  }
0x36: {  	v3 =	vld [tilespmem:s18+$0x0];
	_ =	sdelay $0x2  }
0x37: {  	v2 =	vmul.u32 $0x2710, v2;
	_ =	sdelay $0x1  }
0x38: {  	s29 =	sadd.s32 $0x20, s21;
	v2 =	vadd.s32 v3, v2  }
0x39: {  	[tilespmem:s19+$0x0] =	vst v2;
	v2 =	vor.u32 s29, v1  }
0x3a: {  	[tilespmem:s20+$0x0] =	vst v2  }
0x3b: {  	v2 =	vld [tilespmem:s17+$0x10];
	_ =	sdelay $0x1  }
0x3c: {  	v3 =	vld [tilespmem:s18+$0x10];
	_ =	sdelay $0x2  }
0x3d: {  	v2 =	vmul.u32 $0x2710, v2;
	_ =	sdelay $0x1  }
0x3e: {  	s30 =	sadd.s32 $0x30, s21;
	v2 =	vadd.s32 v3, v2  }
0x3f: {  	[tilespmem:s19+$0x10] =	vst v2;
	v2 =	vor.u32 s30, v1  }
0x40: {  	[tilespmem:s20+$0x10] =	vst v2  }
0x41: {  	v2 =	vld [tilespmem:s17+$0x20];
	_ =	sdelay $0x1  }
0x42: {  	v3 =	vld [tilespmem:s18+$0x20];
	_ =	sdelay $0x2  }
0x43: {  	v2 =	vmul.u32 $0x2710, v2;
	_ =	sdelay $0x1  }
0x44: {  	s31 =	sadd.s32 $0x40, s21;
	v2 =	vadd.s32 v3, v2  }
0x45: {  	s21 =	simm.s32 $0x50;
	s22 =	simm.s32 $0xC0A0;
	[tilespmem:s19+$0x20] =	vst v2;
	v2 =	vor.u32 s31, v1  }
.LBB2_6:
0x46: {  	[tilespmem:s20+$0x20] =	vst v2;
	s17 =	sadd.s32 $0x80, s17;
	s18 =	sadd.s32 $0x80, s18;
	s19 =	sadd.s32 $0x80, s19  }
0x47: {  	p1 =	sne.s32 s21, $0x26C0;
	s23 =	smov.u32 s21;
	s21 =	sadd.s32 $0x50, s21;
	v2 =	vld [tilespmem:s17+$0xFFFFFFE0]  }
0x48: {  	s20 =	smov.u32 s22  }
0x49: {  	v3 =	vld [tilespmem:s18+$0xFFFFFFE0];
	_ =	sdelay $0x2  }
0x4a: {  	v2 =	vmul.u32 $0x2710, v2;
	_ =	sdelay $0x1  }
0x4b: {  	s23 =	sadd.s32 s23, s10;
	v2 =	vadd.s32 v3, v2  }
0x4c: {  	s24 =	sadd.s32 $0x10, s23;
	s25 =	sadd.s32 $0x20, s23;
	s26 =	sadd.s32 $0x30, s23;
	[tilespmem:s19+$0xFFFFFFE0] =	vst v2;
	v2 =	vor.u32 s23, v1  }
0x4d: {  	s23 =	sadd.s32 $0x40, s23;
	[tilespmem:s22+$0xFFFFFFE0] =	vst v2  }
0x4e: {  	v2 =	vld [tilespmem:s17+$0xFFFFFFF0];
	_ =	sdelay $0x1  }
0x4f: {  	v3 =	vld [tilespmem:s18+$0xFFFFFFF0];
	_ =	sdelay $0x2  }
0x50: {  	v2 =	vmul.u32 $0x2710, v2;
	_ =	sdelay $0x1  }
0x51: {  	v2 =	vadd.s32 v3, v2  }
0x52: {  	[tilespmem:s19+$0xFFFFFFF0] =	vst v2;
	v2 =	vor.u32 s24, v1  }
0x53: {  	[tilespmem:s22+$0xFFFFFFF0] =	vst v2  }
0x54: {  	v2 =	vld [tilespmem:s17+$0x0];
	_ =	sdelay $0x1  }
0x55: {  	v3 =	vld [tilespmem:s18+$0x0];
	_ =	sdelay $0x2  }
0x56: {  	v2 =	vmul.u32 $0x2710, v2;
	_ =	sdelay $0x1  }
0x57: {  	v2 =	vadd.s32 v3, v2  }
0x58: {  	[tilespmem:s19+$0x0] =	vst v2;
	v2 =	vor.u32 s25, v1  }
0x59: {  	[tilespmem:s22+$0x0] =	vst v2  }
0x5a: {  	v2 =	vld [tilespmem:s17+$0x10]  }
0x5b: {  	v3 =	vld [tilespmem:s18+$0x10];
	_ =	sdelay $0x3  }
0x5c: {  	v2 =	vmul.u32 $0x2710, v2;
	_ =	sdelay $0x1  }
0x5d: {  	v2 =	vadd.s32 v3, v2  }
0x5e: {  	[tilespmem:s19+$0x10] =	vst v2;
	v2 =	vor.u32 s26, v1  }
0x5f: {  	[tilespmem:s22+$0x10] =	vst v2  }
0x60: {  	v2 =	vld [tilespmem:s17+$0x20]  }
0x61: {  	v3 =	vld [tilespmem:s18+$0x20];
	_ =	sdelay $0x2  }
.Ltmp2:
0x62: {  	(pc) =	sbr.rel @p1 .LBB2_6-.Ltmp2, $3  }
0x63: {  	v2 =	vmul.u32 $0x2710, v2;
	_ =	sdelay $0x1  }
0x64: {  	v2 =	vadd.s32 v3, v2  }
0x65: {  	s22 =	sadd.s32 $0x80, s22;
	[tilespmem:s19+$0x20] =	vst v2;
	v2 =	vor.u32 s23, v1  }
0x66: {  	[tilespmem:s20+$0x20] =	vst v2  }
.LBB2_8:
0x67: {  	p1 =	sne.s32 s16, $0xF800  }
.Ltmp3:
0x68: {  	_ = 	snop;
	(pc) =	sbr.rel @p1 .LBB2_8-.Ltmp3, $4  }
0x69: {  	_ = 	snop  }
0x6a: {  	s17 =	sshra.s32 s16, $0x2  }
0x6b: {  	s16 =	sadd.s32 $0x200, s16;
	s18 =	sadd.s32 $0x10000, s17;
	s17 =	sadd.s32 $0x8000, s17  }
0x6c: {  	[tilespmem:s18], [sflag:$0x1] =	stream.indirect.gather [hbm4b:s4+s14], $0x1, s17, s14, $0xb8;
	[tilespmem:$0x1AC70] =	vst v63  }
0x6d: {  	s16 =	simm.s32 $0x7D  }
.LBB2_10:
0x6e: {  	p1 =	sne.s32 s16, $0x1  }
.Ltmp4:
0x6f: {  	_ = 	snop;
	(pc) =	sbr.rel @p1 .LBB2_10-.Ltmp4, $4  }
0x70: {  	_ = 	snop  }
0x71: {  	_ =	swait.ge [sflag:s15], $0x50  }
0x72: {  	[sflag:s15] =	ssyncset.done $0x0  }
0x73: {  	s16 =	sadd.s32 $0xFFFFFFFF, s16;
	[sflag:s15] =	ssyncadd.s32 $0xFFFFFFB0  }
0x74: {  	s17 =	simm.s32 $0x0  }
0x75: {  	v2 =	vld [tilespmem:s17+$0x10040]  }
0x76: {  	v3 =	vld [tilespmem:s17+$0xC040]  }
0x77: {  	v5 =	vld [tilespmem:s17+$0x10000]  }
0x78: {  	v7 =	vld [tilespmem:s17+$0xC000]  }
0x79: {  	v9 =	vld [tilespmem:s17+$0x10010]  }
0x7a: {  	v10 =	vld [tilespmem:s17+$0xC010]  }
0x7b: {  	v4 =	vld [tilespmem:s17+$0x10020];
	v3 =	vsub.s32 v2, v3  }
0x7c: {  	v6 =	vld [tilespmem:s17+$0xC020];
	v8 =	vsub.s32 $0x0, v3  }
0x7d: {  	v7 =	vsub.s32 v5, v7;
	v2 =	vld [tilespmem:s17+$0x10030];
	v11 =	vmin.u32 v3, v8  }
0x7e: {  	s16 =	simm.s32 $0x80;
	v5 =	vld [tilespmem:s17+$0xC030];
	v8 =	vsub.s32 $0x0, v7;
	vm0 =	vlt.s32 v11, $0x1  }
0x7f: {  	s18 =	simm.s32 $0x400;
	v3 =	vld [tilespmem:s16+$0x10040];
	v8 =	vmin.u32 v7, v8;
	v7 =	vsub.s32 v9, v10;
	v9 =	vnsel vm0, $0x1, v11  }
.LBB2_12:
0x80: {  	p1 =	sne.s32 s18, $0xF800;
	v10 =	vld [tilespmem:s16+$0xC040];
	vm0 =	vlt.s32 v8, $0x1;
	v11 =	vsub.s32 $0x0, v7;
	v9 =	vsub.s32 $0x1, v9  }
0x81: {  	v12 =	vld [tilespmem:s16+$0x10000];
	v8 =	vnsel vm0, $0x1, v8;
	v7 =	vmin.u32 v7, v11;
	v4 =	vsub.s32 v4, v6;
	[tilespmem:s17+$0x14040] =	vst v9  }
0x82: {  	v9 =	vld [tilespmem:s16+$0xC000];
	v6 =	vsub.s32 $0x1, v8;
	vm0 =	vlt.s32 v7, $0x1;
	v8 =	vsub.s32 $0x0, v4  }
0x83: {  	v11 =	vld [tilespmem:s16+$0x10010];
	[tilespmem:s17+$0x14000] =	vst v6;
	v6 =	vnsel vm0, $0x1, v7;
	v7 =	vmin.u32 v4, v8;
	v2 =	vsub.s32 v2, v5  }
0x84: {  	v13 =	vld [tilespmem:s16+$0xC010];
	v5 =	vsub.s32 $0x1, v6;
	vm0 =	vlt.s32 v7, $0x1;
	v6 =	vsub.s32 $0x0, v2  }
.Ltmp5:
0x85: {  	v4 =	vld [tilespmem:s16+$0x10020];
	v3 =	vsub.s32 v3, v10;
	[tilespmem:s17+$0x14010] =	vst v5;
	v5 =	vnsel vm0, $0x1, v7;
	v7 =	vmin.u32 v2, v6;
	(pc) =	sbr.rel @p1 .LBB2_12-.Ltmp5, $4  }
0x86: {  	v6 =	vld [tilespmem:s16+$0xC020];
	v8 =	vsub.s32 $0x0, v3;
	v5 =	vsub.s32 $0x1, v5;
	vm0 =	vlt.s32 v7, $0x1  }
0x87: {  	v9 =	vsub.s32 v12, v9;
	v2 =	vld [tilespmem:s16+$0x10030];
	v10 =	vmin.u32 v3, v8;
	[tilespmem:s17+$0x14020] =	vst v5;
	v3 =	vnsel vm0, $0x1, v7  }
0x88: {  	s19 =	sshra.s32 s18, $0x2;
	v7 =	vsub.s32 $0x0, v9;
	v5 =	vld [tilespmem:s16+$0xC030];
	vm0 =	vlt.s32 v10, $0x1;
	v12 =	vsub.s32 $0x1, v3  }
0x89: {  	s18 =	sadd.s32 $0x200, s18;
	v3 =	vld [tilespmem:s19+$0x10040];
	v8 =	vmin.u32 v9, v7;
	v7 =	vsub.s32 v11, v13;
	v9 =	vnsel vm0, $0x1, v10;
	[tilespmem:s17+$0x14030] =	vst v12;
	s17 =	smov.u32 s16;
	s16 =	smov.u32 s19  }
0x8a: {  	v10 =	vld [tilespmem:s16+$0xC040];
	v9 =	vsub.s32 $0x1, v9;
	vm0 =	vlt.s32 v8, $0x1;
	v56 =	vsub.s32 $0x0, v7  }
0x8b: {  	v11 =	vld [tilespmem:s16+$0x10000];
	[tilespmem:s17+$0x14040] =	vst v9;
	v8 =	vnsel vm0, $0x1, v8;
	v7 =	vmin.u32 v7, v56;
	v4 =	vsub.s32 v4, v6  }
0x8c: {  	v12 =	vld [tilespmem:s16+$0xC000];
	v8 =	vsub.s32 $0x1, v8;
	vm8 =	vlt.s32 v7, $0x1;
	v6 =	vsub.s32 $0x0, v4  }
0x8d: {  	v57 =	vld [tilespmem:s16+$0x10010];
	[tilespmem:s17+$0x14000] =	vst v8;
	v7 =	vnsel vm8, $0x1, v7;
	v4 =	vmin.u32 v4, v6  }
0x8e: {  	v2 =	vsub.s32 v2, v5;
	v8 =	vld [tilespmem:s16+$0xC010];
	v58 =	vsub.s32 $0x1, v7;
	vm9 =	vlt.s32 v4, $0x1  }
0x8f: {  	v59 =	vld [tilespmem:s16+$0x10020];
	v5 =	vsub.s32 $0x0, v2;
	[tilespmem:s17+$0x14010] =	vst v58;
	v4 =	vnsel vm9, $0x1, v4  }
0x90: {  	v3 =	vsub.s32 v3, v10;
	v2 =	vmin.u32 v2, v5;
	v6 =	vld [tilespmem:s16+$0xC020];
	v4 =	vsub.s32 $0x1, v4  }
0x91: {  	v60 =	vld [tilespmem:s16+$0x10030];
	v10 =	vsub.s32 $0x0, v3;
	vm10 =	vlt.s32 v2, $0x1;
	[tilespmem:s17+$0x14020] =	vst v4  }
0x92: {  	v61 =	vsub.s32 v11, v12;
	v3 =	vmin.u32 v3, v10;
	v2 =	vnsel vm10, $0x1, v2;
	v62 =	vld [tilespmem:s16+$0xC030]  }
0x93: {  	v11 =	vsub.s32 $0x0, v61;
	vm11 =	vlt.s32 v3, $0x1;
	v2 =	vsub.s32 $0x1, v2  }
0x94: {  	v4 =	vmin.u32 v61, v11;
	v8 =	vsub.s32 v57, v8;
	v3 =	vnsel vm11, $0x1, v3  }
0x95: {  	vm12 =	vlt.s32 v4, $0x1;
	v9 =	vsub.s32 $0x0, v8;
	v3 =	vsub.s32 $0x1, v3  }
0x96: {  	v4 =	vnsel vm12, $0x1, v4;
	v8 =	vmin.u32 v8, v9;
	v6 =	vsub.s32 v59, v6  }
0x97: {  	v4 =	vsub.s32 $0x1, v4;
	v7 =	vsub.s32 $0x0, v6;
	v5 =	vsub.s32 v60, v62  }
0x98: {  	[tilespmem:s17+$0x14030] =	vst v2;
	vm13 =	vlt.s32 v8, $0x1;
	v2 =	vmin.u32 v6, v7;
	v63 =	vsub.s32 $0x0, v5  }
0x99: {  	[tilespmem:s16+$0x14040] =	vst v3;
	v3 =	vnsel vm13, $0x1, v8;
	vm14 =	vlt.s32 v2, $0x1;
	v5 =	vmin.u32 v5, v63  }
0x9a: {  	[tilespmem:s16+$0x14000] =	vst v4;
	v3 =	vsub.s32 $0x1, v3;
	v2 =	vnsel vm14, $0x1, v2;
	vm15 =	vlt.s32 v5, $0x1  }
0x9b: {  	[tilespmem:s16+$0x14010] =	vst v3;
	v2 =	vsub.s32 $0x1, v2;
	v3 =	vnsel vm15, $0x1, v5  }
0x9c: {  	[tilespmem:s16+$0x14020] =	vst v2;
	v2 =	vsub.s32 $0x1, v3  }
0x9d: {  	s31 =	simm.s32 $0x0;
	s18 =	simm.s32 $0x4000;
	[tilespmem:s16+$0x14030] =	vst v2  }
0x9e: {  	s17 =	simm.s32 $0x14000;
	s16 =	simm.s32 $0x200;
	[bflag:$0x0] =	sbarrier.arrive $0xFFFF  }
0x9f: {  	[spmem:s1] =	stream.indirect.scatter.add.s32 [tilespmem:s17], [sflag:$0x1], $0x1, s31, s14, $0xb8;
	[tilespmem:$0x1AC70] =	vst v63  }
.LBB2_14:
0xa0: {  	[spmem:s2] =	stream.indirect.scatter.add.s32 [tilespmem:s17], [sflag:$0x1], $0x1, s18, s14, $0xb8;
	[tilespmem:$0x1AC70] =	vst v63  }
0xa1: {  	s17 =	smov.u32 s16;
	p1 =	sne.s32 s16, $0xF800  }
.Ltmp6:
0xa2: {  	s16 =	sadd.s32 $0x200, s16;
	(pc) =	sbr.rel @p1 .LBB2_14-.Ltmp6, $4  }
0xa3: {  	s18 =	sshra.s32 s17, $0x2  }
0xa4: {  	s17 =	sadd.s32 $0x14000, s18  }
0xa5: {  	[spmem:s1] =	stream.indirect.scatter.add.s32 [tilespmem:s17], [sflag:$0x1], $0x1, s18, s14, $0xb8;
	[tilespmem:$0x1AC70] =	vst v63  }
0xa6: {  	s18 =	sadd.s32 $0x4000, s18  }
0xa7: {  	[spmem:s2] =	stream.indirect.scatter.add.s32 [tilespmem:s17], [sflag:$0x1], $0x1, s18, s14, $0xb8;
	[tilespmem:$0x1AC70] =	vst v63  }
0xa8: {  	_ =	swait.ge [sflag:s15], $0x50  }
0xa9: {  	[sflag:s15] =	ssyncset.done $0x0  }
0xaa: {  	[sflag:s15] =	ssyncadd.s32 $0xFFFFFFB0  }
0xab: {  	_ =	swait.ge [sflag:s15], $0x50  }
0xac: {  	s16 =	simm.s32 $0x7C;
	[sflag:s15] =	ssyncset.done $0x0  }
.LBB2_16:
0xad: {  	p1 =	sne.s32 s16, $0x1;
	s16 =	sadd.s32 $0xFFFFFFFF, s16;
	[sflag:s15] =	ssyncadd.s32 $0xFFFFFFB0  }
.Ltmp7:
0xae: {  	_ =	swait.ge [sflag:s15], $0x50;
	(pc) =	sbr.rel @p1 .LBB2_16-.Ltmp7, $4  }
0xaf: {  	[sflag:s15] =	ssyncset.done $0x0  }
0xb0: {  	[sflag:s15] =	ssyncadd.s32 $0xFFFFFFB0  }
0xb1: {  	_ =	swait.ge [sflag:s15], $0x50  }
0xb2: {  	[sflag:s15] =	ssyncset.done $0x0  }
0xb3: {  	[sflag:s15] =	ssyncadd.s32 $0xFFFFFFB0  }
0xb4: {  	s16 =	sshrl.u32 @!p0 s1, $0x3;
	s17 =	simm.s32 @!p0 $0x1C02;
	[bflag:$0x0] =	sbarrier.arrive $0xFFFF  }
0xb5: {  	[hbm:s7], [sflag:s17] =	dma.local @!p0 [spmem:s16], $0x4F0  }
0xb6: {  	s16 =	simm.s32 @!p0 $0x2  }
0xb7: {  	s3 =	sadd.s32 $0x1, s3;
	_ =	swait.ge @!p0 [sflag:s16], $0x4F0  }
0xb8: {  	p1 =	sne.s32 s3, s9;
	[sflag:s16] =	ssyncset.done @!p0 $0x0  }
.Ltmp8:
0xb9: {  	s18 =	sshrl.u32 @!p0 s2, $0x3;
	[sflag:s16] =	ssyncadd.s32 @!p0 $0xFFFFFB10;
	(pc) =	sbr.rel @p1 .LBB2_1-.Ltmp8, $4  }
0xba: {  	[hbm:s8], [sflag:s17] =	dma.local @!p0 [spmem:s18], $0x4F0  }
0xbb: {  	_ =	swait.ge @!p0 [sflag:s16], $0x4F0  }
0xbc: {  	[sflag:s16] =	ssyncset.done @!p0 $0x0  }
0xbd: {  	[sflag:s16] =	ssyncadd.s32 @!p0 $0xFFFFFB10  }
0xbe: {  	_ =	sfence.sel $0x180000  }
0xbf: {  	[bflag:$0x0] =	sbarrier.arrive $0xFFFF  }
0xc0: {  	_ =	strace $0x9000004A  }
0xc1: {  	s0 =	sadd.s32 @!p0 $0x100000, s0;
	[bflag:$0x2] =	sbarrier.arrive $0xFFFF  }
0xc2: {  	[sflag:s0] =	ssyncadd.tile.s32 @!p0 $0x1;
	_ =	shalt  }
.Lfunc_end2:
_tile_overlayer_lowered:
.L_overlay_start_2:
0xc3: {  	(tag) =	ssettag $0x2  }
0xc4: {  	s0 =	rddreg [dreg:$0x0];
	s2 =	stileid.u32  }
0xc5: {  	s1 =	rddreg [dreg:$0x1];
	p0 =	sne.s32 s2, $0x0  }
0xc6: {  	s3 =	rddreg [dreg:$0x2];
	[bflag:$0x3] =	sbarrier.arrive $0xFFFF;
	s2 =	simm.s32 @!p0 $0x1C02  }
0xc7: {  	[timem:s3], [sflag:s2] =	dma.local @!p0 [hbm:s0], s1  }
0xc8: {  	s0 =	simm.s32 @!p0 $0x2  }
0xc9: {  	_ =	swait.ge @!p0 [sflag:s0], s1  }
0xca: {  	s1 =	ssub.s32 @!p0 $0x0, s1;
	[sflag:s0] =	ssyncset.done @!p0 $0x0  }
0xcb: {  	[sflag:s0] =	ssyncadd.s32 @!p0 s1  }
0xcc: {  	[bflag:$0x3] =	sbarrier.arrive $0xFFFF  }
0xcd: {  	_ =	shalt  }

</sc_bundles>
